<compile_context>
chip_gen: v7x
topology: tpu7x:2x2x1
jax: 0.10.2.dev20260603
libtpu: 0.0.44.dev20260713+nightly
codegen_flags: <defaults>
</compile_context>

<pallas_src>
import jax
import jax.numpy as jnp
from jax import lax
from jax.experimental import pallas as pl
from jax.experimental.pallas import tpu as pltpu
from jax.experimental.pallas import tpu_sc as plsc

N_NODES = 10000
N_EDGES = 320000
D_FEAT = 128

NUM_CORES = 2
NUM_SUBCORES = 16
LANES = 16
NW = NUM_CORES * NUM_SUBCORES
EDGES_PER_WORKER = N_EDGES // NW
CHUNK = 80
NCHUNKS = EDGES_PER_WORKER // CHUNK
GROUPS = CHUNK // LANES


def _edge_decoder(z_src, z_dst, ei_src, ei_dst, par, out_mean, out_std,
                  idx_s, idx_d, u0, v0, u1, v1, u2, v2, mean_v, std_v, par_v,
                  part_v, sem0, sem1, sem2):
  wid = lax.axis_index("s") * NUM_CORES + lax.axis_index("c")
  base = wid * EDGES_PER_WORKER

  pltpu.sync_copy(ei_src.at[pl.ds(base, EDGES_PER_WORKER)], idx_s)
  pltpu.sync_copy(ei_dst.at[pl.ds(base, EDGES_PER_WORKER)], idx_d)
  pltpu.sync_copy(par, par_v)
  scale = par_v[0, :]
  bias = par_v[1, :]
  std16 = par_v[2, :]

  def fill_std(j, carry):
    std_v[pl.ds(j * LANES, LANES)] = std16
    return carry

  lax.fori_loop(0, EDGES_PER_WORKER // LANES, fill_std, 0)

  def start_chunk(c, ub, vb, sem):
    pltpu.async_copy(z_src.at[idx_s.at[pl.ds(c * CHUNK, CHUNK)]], ub, sem)
    pltpu.async_copy(z_dst.at[idx_d.at[pl.ds(c * CHUNK, CHUNK)]], vb, sem)

  def wait_chunk(c, ub, vb, sem):
    pltpu.make_async_copy(
        z_src.at[idx_s.at[pl.ds(c * CHUNK, CHUNK)]], ub, sem).wait()
    pltpu.make_async_copy(
        z_dst.at[idx_d.at[pl.ds(c * CHUNK, CHUNK)]], vb, sem).wait()

  def compute_chunk(c, ub, vb):
    stride = lax.iota(jnp.int32, LANES) * LANES

    def group_body(g, carry):
      eb = g * LANES

      def edge_body(e, carry2):
        row = eb + e
        p = [ub[row, pl.ds(k * LANES, LANES)] * vb[row, pl.ds(k * LANES, LANES)]
             for k in range(D_FEAT // LANES)]
        while len(p) > 1:
          p = [p[2 * i] + p[2 * i + 1] for i in range(len(p) // 2)]
        plsc.store_scatter(part_v, [stride + e], p[0])
        return carry2

      lax.fori_loop(0, LANES, edge_body, 0)
      acc = part_v[pl.ds(0, LANES)]
      for l in range(1, LANES):
        acc = acc + part_v[pl.ds(l * LANES, LANES)]
      mean_v[pl.ds(c * CHUNK + eb, LANES)] = acc * scale + bias
      return carry

    lax.fori_loop(0, GROUPS, group_body, 0)

  start_chunk(0, u0, v0, sem0)
  start_chunk(1, u1, v1, sem1)

  def triple_body(i, carry):
    c = 3 * i
    start_chunk(c + 2, u2, v2, sem2)
    wait_chunk(c, u0, v0, sem0)
    compute_chunk(c, u0, v0)
    start_chunk(c + 3, u0, v0, sem0)
    wait_chunk(c + 1, u1, v1, sem1)
    compute_chunk(c + 1, u1, v1)
    start_chunk(c + 4, u1, v1, sem1)
    wait_chunk(c + 2, u2, v2, sem2)
    compute_chunk(c + 2, u2, v2)
    return carry

  lax.fori_loop(0, (NCHUNKS - 2) // 3, triple_body, 0)
  wait_chunk(NCHUNKS - 2, u0, v0, sem0)
  compute_chunk(NCHUNKS - 2, u0, v0)
  wait_chunk(NCHUNKS - 1, u1, v1, sem1)
  compute_chunk(NCHUNKS - 1, u1, v1)

  pltpu.sync_copy(mean_v, out_mean.at[pl.ds(base, EDGES_PER_WORKER)])
  pltpu.sync_copy(std_v, out_std.at[pl.ds(base, EDGES_PER_WORKER)])


@jax.jit
def _run(z_src, z_dst, ei_src, ei_dst, params):
  mesh = plsc.VectorSubcoreMesh(
      core_axis_name="c", subcore_axis_name="s",
      num_cores=NUM_CORES, num_subcores=NUM_SUBCORES)
  f = pl.kernel(
      _edge_decoder,
      out_type=(jax.ShapeDtypeStruct((N_EDGES,), jnp.float32),
                jax.ShapeDtypeStruct((N_EDGES,), jnp.float32)),
      mesh=mesh,
      compiler_params=pltpu.CompilerParams(needs_layout_passes=False),
      scratch_types=[
          pltpu.VMEM((EDGES_PER_WORKER,), jnp.int32),
          pltpu.VMEM((EDGES_PER_WORKER,), jnp.int32),
          pltpu.VMEM((CHUNK, D_FEAT), jnp.float32),
          pltpu.VMEM((CHUNK, D_FEAT), jnp.float32),
          pltpu.VMEM((CHUNK, D_FEAT), jnp.float32),
          pltpu.VMEM((CHUNK, D_FEAT), jnp.float32),
          pltpu.VMEM((CHUNK, D_FEAT), jnp.float32),
          pltpu.VMEM((CHUNK, D_FEAT), jnp.float32),
          pltpu.VMEM((EDGES_PER_WORKER,), jnp.float32),
          pltpu.VMEM((EDGES_PER_WORKER,), jnp.float32),
          pltpu.VMEM((3, LANES), jnp.float32),
          pltpu.VMEM((LANES * LANES,), jnp.float32),
          pltpu.SemaphoreType.DMA,
          pltpu.SemaphoreType.DMA,
          pltpu.SemaphoreType.DMA,
      ],
  )
  mean, std = f(z_src, z_dst, ei_src, ei_dst, params)
  return jnp.stack([mean, std], axis=0)


def kernel(z_src, z_dst, edge_index, src_logscale, src_bias, src_std,
           dst_logscale, dst_bias, dst_std):
  scale = jnp.exp(src_logscale[0] + dst_logscale[0])
  bias = src_bias[0] + dst_bias[0]
  std = jax.nn.softplus(src_std[0]) + jax.nn.softplus(dst_std[0])
  params = jnp.broadcast_to(
      jnp.stack([scale, bias, std])[:, None], (3, LANES))
  return _run(z_src, z_dst, edge_index[0], edge_index[1], params)

# --- scband reference (transcript-rebuilt; emitter-appended) ---
"""Pipeline reference for scband-relational-edge-distribution-decoder-23673859736392 (READ-ONLY COPY).

The authoritative reference and input builder live on the scoring server;
editing this copy changes nothing except your own understanding.
"""

import jax, jax.numpy as jnp
import numpy as np

N_NODES = 10000
N_EDGES = 320000
D_FEAT = 128


def setup_inputs(seed: int = 0) -> dict:
    key = jax.random.key(seed)
    ks = jax.random.split(key, 9)
    z_src = jax.random.normal(ks[0], (N_NODES, D_FEAT), dtype=jnp.float32)
    z_dst = jax.random.normal(ks[1], (N_NODES, D_FEAT), dtype=jnp.float32)
    edge_index = jax.random.randint(ks[2], (2, N_EDGES), 0, N_NODES, dtype=jnp.int32)
    src_logscale = 0.1 * jax.random.normal(ks[3], (1,), dtype=jnp.float32)
    src_bias = 0.1 * jax.random.normal(ks[4], (1,), dtype=jnp.float32)
    src_std = 0.1 * jax.random.normal(ks[5], (1,), dtype=jnp.float32)
    dst_logscale = 0.1 * jax.random.normal(ks[6], (1,), dtype=jnp.float32)
    dst_bias = 0.1 * jax.random.normal(ks[7], (1,), dtype=jnp.float32)
    dst_std = 0.1 * jax.random.normal(ks[8], (1,), dtype=jnp.float32)
    return {
        "z_src": z_src,
        "z_dst": z_dst,
        "edge_index": edge_index,
        "src_logscale": src_logscale,
        "src_bias": src_bias,
        "src_std": src_std,
        "dst_logscale": dst_logscale,
        "dst_bias": dst_bias,
        "dst_std": dst_std,
    }


def reference(z_src, z_dst, edge_index, src_logscale, src_bias, src_std,
              dst_logscale, dst_bias, dst_std):
    # Per-edge gather of latent vectors (the core SparseCore-friendly op)
    u = jnp.take(z_src, edge_index[0], axis=0)  # [E, D]
    v = jnp.take(z_dst, edge_index[1], axis=0)  # [E, D]
    # Edge distribution decoder: inner-product decoder producing a
    # per-edge Normal distribution parameterized by (mean, std).
    dot = jnp.sum(u * v, axis=-1)  # [E]
    mean = dot * jnp.exp(src_logscale[0] + dst_logscale[0]) + src_bias[0] + dst_bias[0]
    std = jax.nn.softplus(src_std[0]) + jax.nn.softplus(dst_std[0])
    std = jnp.broadcast_to(std, mean.shape)
    # Stack distribution parameters into a single array [2, E]
    return jnp.stack([mean, std], axis=0)

if __name__ == "__main__":
    import jax
    _d = setup_inputs()
    print(jax.jit(kernel)(*tuple(_d.values())))

</pallas_src>

<mosaic_0001>
#map = affine_map<(d0, d1) -> (0, 0)>
#map1 = affine_map<(d0, d1) -> (0)>
module attributes {stable_mosaic.version = 14 : i64} {
  func.func @_edge_decoder(%arg0: i32, %arg1: i32, %arg2: memref<10000x128xf32, #tpu.memory_space<hbm>>, %arg3: memref<10000x128xf32, #tpu.memory_space<hbm>>, %arg4: memref<320000xi32, #tpu.memory_space<hbm>>, %arg5: memref<320000xi32, #tpu.memory_space<hbm>>, %arg6: memref<3x16xf32, #tpu.memory_space<hbm>>, %arg7: memref<320000xf32, #tpu.memory_space<hbm>>, %arg8: memref<320000xf32, #tpu.memory_space<hbm>>, %arg9: memref<10000xi32, #tpu.memory_space<vmem>>, %arg10: memref<10000xi32, #tpu.memory_space<vmem>>, %arg11: memref<80x128xf32, #tpu.memory_space<vmem>>, %arg12: memref<80x128xf32, #tpu.memory_space<vmem>>, %arg13: memref<80x128xf32, #tpu.memory_space<vmem>>, %arg14: memref<80x128xf32, #tpu.memory_space<vmem>>, %arg15: memref<80x128xf32, #tpu.memory_space<vmem>>, %arg16: memref<80x128xf32, #tpu.memory_space<vmem>>, %arg17: memref<10000xf32, #tpu.memory_space<vmem>>, %arg18: memref<10000xf32, #tpu.memory_space<vmem>>, %arg19: memref<3x16xf32, #tpu.memory_space<vmem>>, %arg20: memref<256xf32, #tpu.memory_space<vmem>>, %arg21: memref<!tpu.dma_semaphore, #tpu.memory_space<semaphore_mem>>, %arg22: memref<!tpu.dma_semaphore, #tpu.memory_space<semaphore_mem>>, %arg23: memref<!tpu.dma_semaphore, #tpu.memory_space<semaphore_mem>>) attributes {dimension_semantics = [#tpu.dimension_semantics<core_parallel>, #tpu.dimension_semantics<subcore_parallel>], iteration_bounds = array<i64: 2, 16>, scalar_prefetch = 0 : i64, scratch_operands = 15 : i64, tpu.core_type = #tpu.core_type<sc_vector_subcore>, window_params = [{transform_indices = #map}, {transform_indices = #map}, {transform_indices = #map1}, {transform_indices = #map1}, {transform_indices = #map}, {transform_indices = #map1}, {transform_indices = #map1}]} {
    %mul3A = arith.constant 2 : i32
    %mul3A_0 = arith.muli %arg1, %mul3A : i32
    %add3A = arith.addi %mul3A_0, %arg0 : i32
    %mul3A_1 = arith.constant 10000 : i32
    %mul3A_2 = arith.muli %add3A, %mul3A_1 : i32
    "tpu.region"() ({
      %run_scoped3A = tpu.sem_alloc : memref<!tpu.dma_semaphore, #tpu.memory_space<semaphore_mem>>
      %dma_start3A_82 = tpu.memref_slice %arg4[%mul3A_2] : memref<320000xi32, #tpu.memory_space<hbm>> -> memref<10000xi32, #tpu.memory_space<hbm>>
      %dma_start3A_83 = tpu.memref_slice %arg4[%mul3A_2] : memref<320000xi32, #tpu.memory_space<hbm>> -> memref<10000xi32, #tpu.memory_space<hbm>>
      tpu.enqueue_dma source(%dma_start3A_83 : memref<10000xi32, #tpu.memory_space<hbm>>) target(%arg9 : memref<10000xi32, #tpu.memory_space<vmem>>) target_semaphore(%run_scoped3A : memref<!tpu.dma_semaphore, #tpu.memory_space<semaphore_mem>>)
      %dma_wait3A_84 = tpu.memref_slice %arg4[%mul3A_2] : memref<320000xi32, #tpu.memory_space<hbm>> -> memref<10000xi32, #tpu.memory_space<hbm>>
      %dma_wait3A_85 = tpu.memref_slice %arg4[%mul3A_2] : memref<320000xi32, #tpu.memory_space<hbm>> -> memref<10000xi32, #tpu.memory_space<hbm>>
      tpu.wait_dma2 semaphore(%run_scoped3A : memref<!tpu.dma_semaphore, #tpu.memory_space<semaphore_mem>>) src(%dma_wait3A_85 : memref<10000xi32, #tpu.memory_space<hbm>>) dst(%arg9 : memref<10000xi32, #tpu.memory_space<vmem>>)
      tpu.yield
    }) : () -> ()
    "tpu.region"() ({
      %run_scoped3A = tpu.sem_alloc : memref<!tpu.dma_semaphore, #tpu.memory_space<semaphore_mem>>
      %dma_start3A_82 = tpu.memref_slice %arg5[%mul3A_2] : memref<320000xi32, #tpu.memory_space<hbm>> -> memref<10000xi32, #tpu.memory_space<hbm>>
      %dma_start3A_83 = tpu.memref_slice %arg5[%mul3A_2] : memref<320000xi32, #tpu.memory_space<hbm>> -> memref<10000xi32, #tpu.memory_space<hbm>>
      tpu.enqueue_dma source(%dma_start3A_83 : memref<10000xi32, #tpu.memory_space<hbm>>) target(%arg10 : memref<10000xi32, #tpu.memory_space<vmem>>) target_semaphore(%run_scoped3A : memref<!tpu.dma_semaphore, #tpu.memory_space<semaphore_mem>>)
      %dma_wait3A_84 = tpu.memref_slice %arg5[%mul3A_2] : memref<320000xi32, #tpu.memory_space<hbm>> -> memref<10000xi32, #tpu.memory_space<hbm>>
      %dma_wait3A_85 = tpu.memref_slice %arg5[%mul3A_2] : memref<320000xi32, #tpu.memory_space<hbm>> -> memref<10000xi32, #tpu.memory_space<hbm>>
      tpu.wait_dma2 semaphore(%run_scoped3A : memref<!tpu.dma_semaphore, #tpu.memory_space<semaphore_mem>>) src(%dma_wait3A_85 : memref<10000xi32, #tpu.memory_space<hbm>>) dst(%arg10 : memref<10000xi32, #tpu.memory_space<vmem>>)
      tpu.yield
    }) : () -> ()
    "tpu.region"() ({
      %run_scoped3A = tpu.sem_alloc : memref<!tpu.dma_semaphore, #tpu.memory_space<semaphore_mem>>
      tpu.enqueue_dma source(%arg6 : memref<3x16xf32, #tpu.memory_space<hbm>>) target(%arg19 : memref<3x16xf32, #tpu.memory_space<vmem>>) target_semaphore(%run_scoped3A : memref<!tpu.dma_semaphore, #tpu.memory_space<semaphore_mem>>)
      tpu.wait_dma2 semaphore(%run_scoped3A : memref<!tpu.dma_semaphore, #tpu.memory_space<semaphore_mem>>) src(%arg6 : memref<3x16xf32, #tpu.memory_space<hbm>>) dst(%arg19 : memref<3x16xf32, #tpu.memory_space<vmem>>)
      tpu.yield
    }) : () -> ()
    %get3A = arith.constant 0 : i32
    %get3A_3 = arith.index_cast %get3A : i32 to index
    %get3A_4 = arith.constant 0 : index
    %get3A_5 = tpu.vector_load %arg19[%get3A_3, %get3A_4] {strides = array<i32>} : memref<3x16xf32, #tpu.memory_space<vmem>>, vector<16xf32>,
    %get3A_6 = arith.constant 1 : i32
    %get3A_7 = arith.index_cast %get3A_6 : i32 to index
    %get3A_8 = arith.constant 0 : index
    %get3A_9 = tpu.vector_load %arg19[%get3A_7, %get3A_8] {strides = array<i32>} : memref<3x16xf32, #tpu.memory_space<vmem>>, vector<16xf32>,
    %get3A_10 = arith.constant 2 : i32
    %get3A_11 = arith.index_cast %get3A_10 : i32 to index
    %get3A_12 = arith.constant 0 : index
    %get3A_13 = tpu.vector_load %arg19[%get3A_11, %get3A_12] {strides = array<i32>} : memref<3x16xf32, #tpu.memory_space<vmem>>, vector<16xf32>,
    %scan3A = arith.constant 0 : i32
    %scan3A_14 = arith.constant 0 : i32
    %scan3A_15 = arith.constant 625 : i32
    %scan3A_16 = arith.addi %scan3A_14, %scan3A_15 : i32
    %scan3A_17 = arith.constant 1 : i32
    scf.for %scan3A_82 = %scan3A_14 to %scan3A_16 step %scan3A_17  : i32 {
      %mul3A_83 = arith.constant 16 : i32
      %mul3A_84 = arith.muli %scan3A_82, %mul3A_83 : i32
      %swap3A = arith.index_cast %mul3A_84 : i32 to index
      %swap3A_85 = tpu.vector_load %arg18[%swap3A] {strides = array<i32>} : memref<10000xf32, #tpu.memory_space<vmem>>, vector<16xf32>,
      tpu.vector_store %arg18[%swap3A], %get3A_13 {strides = array<i32>} : memref<10000xf32, #tpu.memory_space<vmem>>, vector<16xf32>,
    }
    %scan3A_18 = arith.constant 625 : i32
    %dma_start3A = arith.constant 0 : i32
    %dma_start3A_19 = tpu.memref_slice %arg9[%dma_start3A] : memref<10000xi32, #tpu.memory_space<vmem>> -> memref<80xi32, #tpu.memory_space<vmem>>
    %dma_start3A_20 = arith.constant 0 : i32
    %dma_start3A_21 = arith.constant 0 : i32
    %dma_start3A_22 = tpu.memref_slice %arg2[%dma_start3A_20, %dma_start3A_21] : memref<10000x128xf32, #tpu.memory_space<hbm>> -> memref<10000x128xf32, #tpu.memory_space<hbm>>
    tpu.enqueue_indirect_dma source(%dma_start3A_22 : memref<10000x128xf32, #tpu.memory_space<hbm>>) target(%arg11 : memref<80x128xf32, #tpu.memory_space<vmem>>) offsets(%dma_start3A_19 : memref<80xi32, #tpu.memory_space<vmem>>) semaphore(%arg21 : memref<!tpu.dma_semaphore, #tpu.memory_space<semaphore_mem>>)
    %dma_start3A_23 = arith.constant 0 : i32
    %dma_start3A_24 = tpu.memref_slice %arg10[%dma_start3A_23] : memref<10000xi32, #tpu.memory_space<vmem>> -> memref<80xi32, #tpu.memory_space<vmem>>
    %dma_start3A_25 = arith.constant 0 : i32
    %dma_start3A_26 = arith.constant 0 : i32
    %dma_start3A_27 = tpu.memref_slice %arg3[%dma_start3A_25, %dma_start3A_26] : memref<10000x128xf32, #tpu.memory_space<hbm>> -> memref<10000x128xf32, #tpu.memory_space<hbm>>
    tpu.enqueue_indirect_dma source(%dma_start3A_27 : memref<10000x128xf32, #tpu.memory_space<hbm>>) target(%arg12 : memref<80x128xf32, #tpu.memory_space<vmem>>) offsets(%dma_start3A_24 : memref<80xi32, #tpu.memory_space<vmem>>) semaphore(%arg21 : memref<!tpu.dma_semaphore, #tpu.memory_space<semaphore_mem>>)
    %dma_start3A_28 = arith.constant 80 : i32
    %dma_start3A_29 = tpu.memref_slice %arg9[%dma_start3A_28] : memref<10000xi32, #tpu.memory_space<vmem>> -> memref<80xi32, #tpu.memory_space<vmem>>
    %dma_start3A_30 = arith.constant 0 : i32
    %dma_start3A_31 = arith.constant 0 : i32
    %dma_start3A_32 = tpu.memref_slice %arg2[%dma_start3A_30, %dma_start3A_31] : memref<10000x128xf32, #tpu.memory_space<hbm>> -> memref<10000x128xf32, #tpu.memory_space<hbm>>
    tpu.enqueue_indirect_dma source(%dma_start3A_32 : memref<10000x128xf32, #tpu.memory_space<hbm>>) target(%arg13 : memref<80x128xf32, #tpu.memory_space<vmem>>) offsets(%dma_start3A_29 : memref<80xi32, #tpu.memory_space<vmem>>) semaphore(%arg22 : memref<!tpu.dma_semaphore, #tpu.memory_space<semaphore_mem>>)
    %dma_start3A_33 = arith.constant 80 : i32
    %dma_start3A_34 = tpu.memref_slice %arg10[%dma_start3A_33] : memref<10000xi32, #tpu.memory_space<vmem>> -> memref<80xi32, #tpu.memory_space<vmem>>
    %dma_start3A_35 = arith.constant 0 : i32
    %dma_start3A_36 = arith.constant 0 : i32
    %dma_start3A_37 = tpu.memref_slice %arg3[%dma_start3A_35, %dma_start3A_36] : memref<10000x128xf32, #tpu.memory_space<hbm>> -> memref<10000x128xf32, #tpu.memory_space<hbm>>
    tpu.enqueue_indirect_dma source(%dma_start3A_37 : memref<10000x128xf32, #tpu.memory_space<hbm>>) target(%arg14 : memref<80x128xf32, #tpu.memory_space<vmem>>) offsets(%dma_start3A_34 : memref<80xi32, #tpu.memory_space<vmem>>) semaphore(%arg22 : memref<!tpu.dma_semaphore, #tpu.memory_space<semaphore_mem>>)
    %scan3A_38 = arith.constant 0 : i32
    %scan3A_39 = arith.constant 0 : i32
    %scan3A_40 = arith.constant 41 : i32
    %scan3A_41 = arith.addi %scan3A_39, %scan3A_40 : i32
    %scan3A_42 = arith.constant 1 : i32
    scf.for %scan3A_82 = %scan3A_39 to %scan3A_41 step %scan3A_42  : i32 {
      %mul3A_83 = arith.constant 3 : i32
      %mul3A_84 = arith.muli %mul3A_83, %scan3A_82 : i32
      %add3A_85 = arith.constant 2 : i32
      %add3A_86 = arith.addi %mul3A_84, %add3A_85 : i32
      %mul3A_87 = arith.constant 80 : i32
      %mul3A_88 = arith.muli %add3A_86, %mul3A_87 : i32
      %dma_start3A_89 = tpu.memref_slice %arg9[%mul3A_88] : memref<10000xi32, #tpu.memory_space<vmem>> -> memref<80xi32, #tpu.memory_space<vmem>>
      %dma_start3A_90 = arith.constant 0 : i32
      %dma_start3A_91 = arith.constant 0 : i32
      %dma_start3A_92 = tpu.memref_slice %arg2[%dma_start3A_90, %dma_start3A_91] : memref<10000x128xf32, #tpu.memory_space<hbm>> -> memref<10000x128xf32, #tpu.memory_space<hbm>>
      tpu.enqueue_indirect_dma source(%dma_start3A_92 : memref<10000x128xf32, #tpu.memory_space<hbm>>) target(%arg15 : memref<80x128xf32, #tpu.memory_space<vmem>>) offsets(%dma_start3A_89 : memref<80xi32, #tpu.memory_space<vmem>>) semaphore(%arg23 : memref<!tpu.dma_semaphore, #tpu.memory_space<semaphore_mem>>)
      %mul3A_93 = arith.constant 80 : i32
      %mul3A_94 = arith.muli %add3A_86, %mul3A_93 : i32
      %dma_start3A_95 = tpu.memref_slice %arg10[%mul3A_94] : memref<10000xi32, #tpu.memory_space<vmem>> -> memref<80xi32, #tpu.memory_space<vmem>>
      %dma_start3A_96 = arith.constant 0 : i32
      %dma_start3A_97 = arith.constant 0 : i32
      %dma_start3A_98 = tpu.memref_slice %arg3[%dma_start3A_96, %dma_start3A_97] : memref<10000x128xf32, #tpu.memory_space<hbm>> -> memref<10000x128xf32, #tpu.memory_space<hbm>>
      tpu.enqueue_indirect_dma source(%dma_start3A_98 : memref<10000x128xf32, #tpu.memory_space<hbm>>) target(%arg16 : memref<80x128xf32, #tpu.memory_space<vmem>>) offsets(%dma_start3A_95 : memref<80xi32, #tpu.memory_space<vmem>>) semaphore(%arg23 : memref<!tpu.dma_semaphore, #tpu.memory_space<semaphore_mem>>)
      %mul3A_99 = arith.constant 80 : i32
      %mul3A_100 = arith.muli %mul3A_84, %mul3A_99 : i32
      %dma_wait3A_101 = tpu.memref_slice %arg9[%mul3A_100] : memref<10000xi32, #tpu.memory_space<vmem>> -> memref<80xi32, #tpu.memory_space<vmem>>
      %dma_wait3A_102 = arith.constant 0 : i32
      %dma_wait3A_103 = arith.constant 0 : i32
      %dma_wait3A_104 = tpu.memref_slice %arg2[%dma_wait3A_102, %dma_wait3A_103] : memref<10000x128xf32, #tpu.memory_space<hbm>> -> memref<10000x128xf32, #tpu.memory_space<hbm>>
      tpu.wait_indirect_dma semaphore(%arg21 : memref<!tpu.dma_semaphore, #tpu.memory_space<semaphore_mem>>) src(%dma_wait3A_104 : memref<10000x128xf32, #tpu.memory_space<hbm>>) dst(%arg11 : memref<80x128xf32, #tpu.memory_space<vmem>>)
      %mul3A_105 = arith.constant 80 : i32
      %mul3A_106 = arith.muli %mul3A_84, %mul3A_105 : i32
      %dma_wait3A_107 = tpu.memref_slice %arg10[%mul3A_106] : memref<10000xi32, #tpu.memory_space<vmem>> -> memref<80xi32, #tpu.memory_space<vmem>>
      %dma_wait3A_108 = arith.constant 0 : i32
      %dma_wait3A_109 = arith.constant 0 : i32
      %dma_wait3A_110 = tpu.memref_slice %arg3[%dma_wait3A_108, %dma_wait3A_109] : memref<10000x128xf32, #tpu.memory_space<hbm>> -> memref<10000x128xf32, #tpu.memory_space<hbm>>
      tpu.wait_indirect_dma semaphore(%arg21 : memref<!tpu.dma_semaphore, #tpu.memory_space<semaphore_mem>>) src(%dma_wait3A_110 : memref<10000x128xf32, #tpu.memory_space<hbm>>) dst(%arg12 : memref<80x128xf32, #tpu.memory_space<vmem>>)
      %iota3A_111 = tpu.iota {dimensions = array<i32: 0>} : vector<16xi32>
      %mul3A_112 = arith.constant 16 : i32
      %mul3A_113 = vector.broadcast %mul3A_112 : i32 to vector<16xi32>
      %mul3A_114 = arith.muli %iota3A_111, %mul3A_113 : vector<16xi32>
      %scan3A_115 = arith.constant 0 : i32
      %scan3A_116 = arith.constant 0 : i32
      %scan3A_117 = arith.constant 5 : i32
      %scan3A_118 = arith.addi %scan3A_116, %scan3A_117 : i32
      %scan3A_119 = arith.constant 1 : i32
      scf.for %scan3A_201 = %scan3A_116 to %scan3A_118 step %scan3A_119  : i32 {
        %mul3A_202 = arith.constant 16 : i32
        %mul3A_203 = arith.muli %scan3A_201, %mul3A_202 : i32
        %scan3A_204 = arith.constant 0 : i32
        %scan3A_205 = arith.constant 0 : i32
        %scan3A_206 = arith.constant 16 : i32
        %scan3A_207 = arith.addi %scan3A_205, %scan3A_206 : i32
        %scan3A_208 = arith.constant 1 : i32
        scf.for %scan3A_263 = %scan3A_205 to %scan3A_207 step %scan3A_208  : i32 {
          %add3A_264 = arith.addi %mul3A_203, %scan3A_263 : i32
          %get3A_265 = arith.index_cast %add3A_264 : i32 to index
          %get3A_266 = arith.constant 0 : index
          %get3A_267 = tpu.vector_load %arg11[%get3A_265, %get3A_266] {strides = array<i32>} : memref<80x128xf32, #tpu.memory_space<vmem>>, vector<16xf32>,
          %get3A_268 = arith.index_cast %add3A_264 : i32 to index
          %get3A_269 = arith.constant 0 : index
          %get3A_270 = tpu.vector_load %arg12[%get3A_268, %get3A_269] {strides = array<i32>} : memref<80x128xf32, #tpu.memory_space<vmem>>, vector<16xf32>,
          %mul3A_271 = arith.mulf %get3A_267, %get3A_270 : vector<16xf32>
          %get3A_272 = arith.index_cast %add3A_264 : i32 to index
          %get3A_273 = arith.constant 16 : index
          %get3A_274 = tpu.vector_load %arg11[%get3A_272, %get3A_273] {strides = array<i32>} : memref<80x128xf32, #tpu.memory_space<vmem>>, vector<16xf32>,
          %get3A_275 = arith.index_cast %add3A_264 : i32 to index
          %get3A_276 = arith.constant 16 : index
          %get3A_277 = tpu.vector_load %arg12[%get3A_275, %get3A_276] {strides = array<i32>} : memref<80x128xf32, #tpu.memory_space<vmem>>, vector<16xf32>,
          %mul3A_278 = arith.mulf %get3A_274, %get3A_277 : vector<16xf32>
          %get3A_279 = arith.index_cast %add3A_264 : i32 to index
          %get3A_280 = arith.constant 32 : index
          %get3A_281 = tpu.vector_load %arg11[%get3A_279, %get3A_280] {strides = array<i32>} : memref<80x128xf32, #tpu.memory_space<vmem>>, vector<16xf32>,
          %get3A_282 = arith.index_cast %add3A_264 : i32 to index
          %get3A_283 = arith.constant 32 : index
          %get3A_284 = tpu.vector_load %arg12[%get3A_282, %get3A_283] {strides = array<i32>} : memref<80x128xf32, #tpu.memory_space<vmem>>, vector<16xf32>,
          %mul3A_285 = arith.mulf %get3A_281, %get3A_284 : vector<16xf32>
          %get3A_286 = arith.index_cast %add3A_264 : i32 to index
          %get3A_287 = arith.constant 48 : index
          %get3A_288 = tpu.vector_load %arg11[%get3A_286, %get3A_287] {strides = array<i32>} : memref<80x128xf32, #tpu.memory_space<vmem>>, vector<16xf32>,
          %get3A_289 = arith.index_cast %add3A_264 : i32 to index
          %get3A_290 = arith.constant 48 : index
          %get3A_291 = tpu.vector_load %arg12[%get3A_289, %get3A_290] {strides = array<i32>} : memref<80x128xf32, #tpu.memory_space<vmem>>, vector<16xf32>,
          %mul3A_292 = arith.mulf %get3A_288, %get3A_291 : vector<16xf32>
          %get3A_293 = arith.index_cast %add3A_264 : i32 to index
          %get3A_294 = arith.constant 64 : index
          %get3A_295 = tpu.vector_load %arg11[%get3A_293, %get3A_294] {strides = array<i32>} : memref<80x128xf32, #tpu.memory_space<vmem>>, vector<16xf32>,
          %get3A_296 = arith.index_cast %add3A_264 : i32 to index
          %get3A_297 = arith.constant 64 : index
          %get3A_298 = tpu.vector_load %arg12[%get3A_296, %get3A_297] {strides = array<i32>} : memref<80x128xf32, #tpu.memory_space<vmem>>, vector<16xf32>,
          %mul3A_299 = arith.mulf %get3A_295, %get3A_298 : vector<16xf32>
          %get3A_300 = arith.index_cast %add3A_264 : i32 to index
          %get3A_301 = arith.constant 80 : index
          %get3A_302 = tpu.vector_load %arg11[%get3A_300, %get3A_301] {strides = array<i32>} : memref<80x128xf32, #tpu.memory_space<vmem>>, vector<16xf32>,
          %get3A_303 = arith.index_cast %add3A_264 : i32 to index
          %get3A_304 = arith.constant 80 : index
          %get3A_305 = tpu.vector_load %arg12[%get3A_303, %get3A_304] {strides = array<i32>} : memref<80x128xf32, #tpu.memory_space<vmem>>, vector<16xf32>,
          %mul3A_306 = arith.mulf %get3A_302, %get3A_305 : vector<16xf32>
          %get3A_307 = arith.index_cast %add3A_264 : i32 to index
          %get3A_308 = arith.constant 96 : index
          %get3A_309 = tpu.vector_load %arg11[%get3A_307, %get3A_308] {strides = array<i32>} : memref<80x128xf32, #tpu.memory_space<vmem>>, vector<16xf32>,
          %get3A_310 = arith.index_cast %add3A_264 : i32 to index
          %get3A_311 = arith.constant 96 : index
          %get3A_312 = tpu.vector_load %arg12[%get3A_310, %get3A_311] {strides = array<i32>} : memref<80x128xf32, #tpu.memory_space<vmem>>, vector<16xf32>,
          %mul3A_313 = arith.mulf %get3A_309, %get3A_312 : vector<16xf32>
          %get3A_314 = arith.index_cast %add3A_264 : i32 to index
          %get3A_315 = arith.constant 112 : index
          %get3A_316 = tpu.vector_load %arg11[%get3A_314, %get3A_315] {strides = array<i32>} : memref<80x128xf32, #tpu.memory_space<vmem>>, vector<16xf32>,
          %get3A_317 = arith.index_cast %add3A_264 : i32 to index
          %get3A_318 = arith.constant 112 : index
          %get3A_319 = tpu.vector_load %arg12[%get3A_317, %get3A_318] {strides = array<i32>} : memref<80x128xf32, #tpu.memory_space<vmem>>, vector<16xf32>,
          %mul3A_320 = arith.mulf %get3A_316, %get3A_319 : vector<16xf32>
          %add3A_321 = arith.addf %mul3A_271, %mul3A_278 : vector<16xf32>
          %add3A_322 = arith.addf %mul3A_285, %mul3A_292 : vector<16xf32>
          %add3A_323 = arith.addf %mul3A_299, %mul3A_306 : vector<16xf32>
          %add3A_324 = arith.addf %mul3A_313, %mul3A_320 : vector<16xf32>
          %add3A_325 = arith.addf %add3A_321, %add3A_322 : vector<16xf32>
          %add3A_326 = arith.addf %add3A_323, %add3A_324 : vector<16xf32>
          %add3A_327 = arith.addf %add3A_325, %add3A_326 : vector<16xf32>
          %add3A_328 = vector.broadcast %scan3A_263 : i32 to vector<16xi32>
          %add3A_329 = arith.addi %mul3A_114, %add3A_328 : vector<16xi32>
          tpu.vector_store_idx %arg20[%add3A_329], %add3A_327 : memref<256xf32, #tpu.memory_space<vmem>>[vector<16xi32>], vector<16xf32>,
        }
        %scan3A_209 = arith.constant 16 : i32
        %get3A_210 = arith.constant 0 : index
        %get3A_211 = tpu.vector_load %arg20[%get3A_210] {strides = array<i32>} : memref<256xf32, #tpu.memory_space<vmem>>, vector<16xf32>,
        %get3A_212 = arith.constant 16 : index
        %get3A_213 = tpu.vector_load %arg20[%get3A_212] {strides = array<i32>} : memref<256xf32, #tpu.memory_space<vmem>>, vector<16xf32>,
        %add3A_214 = arith.addf %get3A_211, %get3A_213 : vector<16xf32>
        %get3A_215 = arith.constant 32 : index
        %get3A_216 = tpu.vector_load %arg20[%get3A_215] {strides = array<i32>} : memref<256xf32, #tpu.memory_space<vmem>>, vector<16xf32>,
        %add3A_217 = arith.addf %add3A_214, %get3A_216 : vector<16xf32>
        %get3A_218 = arith.constant 48 : index
        %get3A_219 = tpu.vector_load %arg20[%get3A_218] {strides = array<i32>} : memref<256xf32, #tpu.memory_space<vmem>>, vector<16xf32>,
        %add3A_220 = arith.addf %add3A_217, %get3A_219 : vector<16xf32>
        %get3A_221 = arith.constant 64 : index
        %get3A_222 = tpu.vector_load %arg20[%get3A_221] {strides = array<i32>} : memref<256xf32, #tpu.memory_space<vmem>>, vector<16xf32>,
        %add3A_223 = arith.addf %add3A_220, %get3A_222 : vector<16xf32>
        %get3A_224 = arith.constant 80 : index
        %get3A_225 = tpu.vector_load %arg20[%get3A_224] {strides = array<i32>} : memref<256xf32, #tpu.memory_space<vmem>>, vector<16xf32>,
        %add3A_226 = arith.addf %add3A_223, %get3A_225 : vector<16xf32>
        %get3A_227 = arith.constant 96 : index
        %get3A_228 = tpu.vector_load %arg20[%get3A_227] {strides = array<i32>} : memref<256xf32, #tpu.memory_space<vmem>>, vector<16xf32>,
        %add3A_229 = arith.addf %add3A_226, %get3A_228 : vector<16xf32>
        %get3A_230 = arith.constant 112 : index
        %get3A_231 = tpu.vector_load %arg20[%get3A_230] {strides = array<i32>} : memref<256xf32, #tpu.memory_space<vmem>>, vector<16xf32>,
        %add3A_232 = arith.addf %add3A_229, %get3A_231 : vector<16xf32>
        %get3A_233 = arith.constant 128 : index
        %get3A_234 = tpu.vector_load %arg20[%get3A_233] {strides = array<i32>} : memref<256xf32, #tpu.memory_space<vmem>>, vector<16xf32>,
        %add3A_235 = arith.addf %add3A_232, %get3A_234 : vector<16xf32>
        %get3A_236 = arith.constant 144 : index
        %get3A_237 = tpu.vector_load %arg20[%get3A_236] {strides = array<i32>} : memref<256xf32, #tpu.memory_space<vmem>>, vector<16xf32>,
        %add3A_238 = arith.addf %add3A_235, %get3A_237 : vector<16xf32>
        %get3A_239 = arith.constant 160 : index
        %get3A_240 = tpu.vector_load %arg20[%get3A_239] {strides = array<i32>} : memref<256xf32, #tpu.memory_space<vmem>>, vector<16xf32>,
        %add3A_241 = arith.addf %add3A_238, %get3A_240 : vector<16xf32>
        %get3A_242 = arith.constant 176 : index
        %get3A_243 = tpu.vector_load %arg20[%get3A_242] {strides = array<i32>} : memref<256xf32, #tpu.memory_space<vmem>>, vector<16xf32>,
        %add3A_244 = arith.addf %add3A_241, %get3A_243 : vector<16xf32>
        %get3A_245 = arith.constant 192 : index
        %get3A_246 = tpu.vector_load %arg20[%get3A_245] {strides = array<i32>} : memref<256xf32, #tpu.memory_space<vmem>>, vector<16xf32>,
        %add3A_247 = arith.addf %add3A_244, %get3A_246 : vector<16xf32>
        %get3A_248 = arith.constant 208 : index
        %get3A_249 = tpu.vector_load %arg20[%get3A_248] {strides = array<i32>} : memref<256xf32, #tpu.memory_space<vmem>>, vector<16xf32>,
        %add3A_250 = arith.addf %add3A_247, %get3A_249 : vector<16xf32>
        %get3A_251 = arith.constant 224 : index
        %get3A_252 = tpu.vector_load %arg20[%get3A_251] {strides = array<i32>} : memref<256xf32, #tpu.memory_space<vmem>>, vector<16xf32>,
        %add3A_253 = arith.addf %add3A_250, %get3A_252 : vector<16xf32>
        %get3A_254 = arith.constant 240 : index
        %get3A_255 = tpu.vector_load %arg20[%get3A_254] {strides = array<i32>} : memref<256xf32, #tpu.memory_space<vmem>>, vector<16xf32>,
        %add3A_256 = arith.addf %add3A_253, %get3A_255 : vector<16xf32>
        %mul3A_257 = arith.mulf %add3A_256, %get3A_5 : vector<16xf32>
        %add3A_258 = arith.addf %mul3A_257, %get3A_9 : vector<16xf32>
        %mul3A_259 = arith.constant 80 : i32
        %mul3A_260 = arith.muli %mul3A_84, %mul3A_259 : i32
        %add3A_261 = arith.addi %mul3A_260, %mul3A_203 : i32
        %swap3A = arith.index_cast %add3A_261 : i32 to index
        %swap3A_262 = tpu.vector_load %arg17[%swap3A] {strides = array<i32>} : memref<10000xf32, #tpu.memory_space<vmem>>, vector<16xf32>,
        tpu.vector_store %arg17[%swap3A], %add3A_258 {strides = array<i32>} : memref<10000xf32, #tpu.memory_space<vmem>>, vector<16xf32>,
      }
      %scan3A_120 = arith.constant 5 : i32
      %add3A_121 = arith.constant 3 : i32
      %add3A_122 = arith.addi %mul3A_84, %add3A_121 : i32
      %mul3A_123 = arith.constant 80 : i32
      %mul3A_124 = arith.muli %add3A_122, %mul3A_123 : i32
      %dma_start3A_125 = tpu.memref_slice %arg9[%mul3A_124] : memref<10000xi32, #tpu.memory_space<vmem>> -> memref<80xi32, #tpu.memory_space<vmem>>
      %dma_start3A_126 = arith.constant 0 : i32
      %dma_start3A_127 = arith.constant 0 : i32
      %dma_start3A_128 = tpu.memref_slice %arg2[%dma_start3A_126, %dma_start3A_127] : memref<10000x128xf32, #tpu.memory_space<hbm>> -> memref<10000x128xf32, #tpu.memory_space<hbm>>
      tpu.enqueue_indirect_dma source(%dma_start3A_128 : memref<10000x128xf32, #tpu.memory_space<hbm>>) target(%arg11 : memref<80x128xf32, #tpu.memory_space<vmem>>) offsets(%dma_start3A_125 : memref<80xi32, #tpu.memory_space<vmem>>) semaphore(%arg21 : memref<!tpu.dma_semaphore, #tpu.memory_space<semaphore_mem>>)
      %mul3A_129 = arith.constant 80 : i32
      %mul3A_130 = arith.muli %add3A_122, %mul3A_129 : i32
      %dma_start3A_131 = tpu.memref_slice %arg10[%mul3A_130] : memref<10000xi32, #tpu.memory_space<vmem>> -> memref<80xi32, #tpu.memory_space<vmem>>
      %dma_start3A_132 = arith.constant 0 : i32
      %dma_start3A_133 = arith.constant 0 : i32
      %dma_start3A_134 = tpu.memref_slice %arg3[%dma_start3A_132, %dma_start3A_133] : memref<10000x128xf32, #tpu.memory_space<hbm>> -> memref<10000x128xf32, #tpu.memory_space<hbm>>
      tpu.enqueue_indirect_dma source(%dma_start3A_134 : memref<10000x128xf32, #tpu.memory_space<hbm>>) target(%arg12 : memref<80x128xf32, #tpu.memory_space<vmem>>) offsets(%dma_start3A_131 : memref<80xi32, #tpu.memory_space<vmem>>) semaphore(%arg21 : memref<!tpu.dma_semaphore, #tpu.memory_space<semaphore_mem>>)
      %add3A_135 = arith.constant 1 : i32
      %add3A_136 = arith.addi %mul3A_84, %add3A_135 : i32
      %mul3A_137 = arith.constant 80 : i32
      %mul3A_138 = arith.muli %add3A_136, %mul3A_137 : i32
      %dma_wait3A_139 = tpu.memref_slice %arg9[%mul3A_138] : memref<10000xi32, #tpu.memory_space<vmem>> -> memref<80xi32, #tpu.memory_space<vmem>>
      %dma_wait3A_140 = arith.constant 0 : i32
      %dma_wait3A_141 = arith.constant 0 : i32
      %dma_wait3A_142 = tpu.memref_slice %arg2[%dma_wait3A_140, %dma_wait3A_141] : memref<10000x128xf32, #tpu.memory_space<hbm>> -> memref<10000x128xf32, #tpu.memory_space<hbm>>
      tpu.wait_indirect_dma semaphore(%arg22 : memref<!tpu.dma_semaphore, #tpu.memory_space<semaphore_mem>>) src(%dma_wait3A_142 : memref<10000x128xf32, #tpu.memory_space<hbm>>) dst(%arg13 : memref<80x128xf32, #tpu.memory_space<vmem>>)
      %mul3A_143 = arith.constant 80 : i32
      %mul3A_144 = arith.muli %add3A_136, %mul3A_143 : i32
      %dma_wait3A_145 = tpu.memref_slice %arg10[%mul3A_144] : memref<10000xi32, #tpu.memory_space<vmem>> -> memref<80xi32, #tpu.memory_space<vmem>>
      %dma_wait3A_146 = arith.constant 0 : i32
      %dma_wait3A_147 = arith.constant 0 : i32
      %dma_wait3A_148 = tpu.memref_slice %arg3[%dma_wait3A_146, %dma_wait3A_147] : memref<10000x128xf32, #tpu.memory_space<hbm>> -> memref<10000x128xf32, #tpu.memory_space<hbm>>
      tpu.wait_indirect_dma semaphore(%arg22 : memref<!tpu.dma_semaphore, #tpu.memory_space<semaphore_mem>>) src(%dma_wait3A_148 : memref<10000x128xf32, #tpu.memory_space<hbm>>) dst(%arg14 : memref<80x128xf32, #tpu.memory_space<vmem>>)
      %add3A_149 = arith.constant 1 : i32
      %add3A_150 = arith.addi %mul3A_84, %add3A_149 : i32
      %iota3A_151 = tpu.iota {dimensions = array<i32: 0>} : vector<16xi32>
      %mul3A_152 = arith.constant 16 : i32
      %mul3A_153 = vector.broadcast %mul3A_152 : i32 to vector<16xi32>
      %mul3A_154 = arith.muli %iota3A_151, %mul3A_153 : vector<16xi32>
      %scan3A_155 = arith.constant 0 : i32
      %scan3A_156 = arith.constant 0 : i32
      %scan3A_157 = arith.constant 5 : i32
      %scan3A_158 = arith.addi %scan3A_156, %scan3A_157 : i32
      %scan3A_159 = arith.constant 1 : i32
      scf.for %scan3A_201 = %scan3A_156 to %scan3A_158 step %scan3A_159  : i32 {
        %mul3A_202 = arith.constant 16 : i32
        %mul3A_203 = arith.muli %scan3A_201, %mul3A_202 : i32
        %scan3A_204 = arith.constant 0 : i32
        %scan3A_205 = arith.constant 0 : i32
        %scan3A_206 = arith.constant 16 : i32
        %scan3A_207 = arith.addi %scan3A_205, %scan3A_206 : i32
        %scan3A_208 = arith.constant 1 : i32
        scf.for %scan3A_263 = %scan3A_205 to %scan3A_207 step %scan3A_208  : i32 {
          %add3A_264 = arith.addi %mul3A_203, %scan3A_263 : i32
          %get3A_265 = arith.index_cast %add3A_264 : i32 to index
          %get3A_266 = arith.constant 0 : index
          %get3A_267 = tpu.vector_load %arg13[%get3A_265, %get3A_266] {strides = array<i32>} : memref<80x128xf32, #tpu.memory_space<vmem>>, vector<16xf32>,
          %get3A_268 = arith.index_cast %add3A_264 : i32 to index
          %get3A_269 = arith.constant 0 : index
          %get3A_270 = tpu.vector_load %arg14[%get3A_268, %get3A_269] {strides = array<i32>} : memref<80x128xf32, #tpu.memory_space<vmem>>, vector<16xf32>,
          %mul3A_271 = arith.mulf %get3A_267, %get3A_270 : vector<16xf32>
          %get3A_272 = arith.index_cast %add3A_264 : i32 to index
          %get3A_273 = arith.constant 16 : index
          %get3A_274 = tpu.vector_load %arg13[%get3A_272, %get3A_273] {strides = array<i32>} : memref<80x128xf32, #tpu.memory_space<vmem>>, vector<16xf32>,
          %get3A_275 = arith.index_cast %add3A_264 : i32 to index
          %get3A_276 = arith.constant 16 : index
          %get3A_277 = tpu.vector_load %arg14[%get3A_275, %get3A_276] {strides = array<i32>} : memref<80x128xf32, #tpu.memory_space<vmem>>, vector<16xf32>,
          %mul3A_278 = arith.mulf %get3A_274, %get3A_277 : vector<16xf32>
          %get3A_279 = arith.index_cast %add3A_264 : i32 to index
          %get3A_280 = arith.constant 32 : index
          %get3A_281 = tpu.vector_load %arg13[%get3A_279, %get3A_280] {strides = array<i32>} : memref<80x128xf32, #tpu.memory_space<vmem>>, vector<16xf32>,
          %get3A_282 = arith.index_cast %add3A_264 : i32 to index
          %get3A_283 = arith.constant 32 : index
          %get3A_284 = tpu.vector_load %arg14[%get3A_282, %get3A_283] {strides = array<i32>} : memref<80x128xf32, #tpu.memory_space<vmem>>, vector<16xf32>,
          %mul3A_285 = arith.mulf %get3A_281, %get3A_284 : vector<16xf32>
          %get3A_286 = arith.index_cast %add3A_264 : i32 to index
          %get3A_287 = arith.constant 48 : index
          %get3A_288 = tpu.vector_load %arg13[%get3A_286, %get3A_287] {strides = array<i32>} : memref<80x128xf32, #tpu.memory_space<vmem>>, vector<16xf32>,
          %get3A_289 = arith.index_cast %add3A_264 : i32 to index
          %get3A_290 = arith.constant 48 : index
          %get3A_291 = tpu.vector_load %arg14[%get3A_289, %get3A_290] {strides = array<i32>} : memref<80x128xf32, #tpu.memory_space<vmem>>, vector<16xf32>,
          %mul3A_292 = arith.mulf %get3A_288, %get3A_291 : vector<16xf32>
          %get3A_293 = arith.index_cast %add3A_264 : i32 to index
          %get3A_294 = arith.constant 64 : index
          %get3A_295 = tpu.vector_load %arg13[%get3A_293, %get3A_294] {strides = array<i32>} : memref<80x128xf32, #tpu.memory_space<vmem>>, vector<16xf32>,
          %get3A_296 = arith.index_cast %add3A_264 : i32 to index
          %get3A_297 = arith.constant 64 : index
          %get3A_298 = tpu.vector_load %arg14[%get3A_296, %get3A_297] {strides = array<i32>} : memref<80x128xf32, #tpu.memory_space<vmem>>, vector<16xf32>,
          %mul3A_299 = arith.mulf %get3A_295, %get3A_298 : vector<16xf32>
          %get3A_300 = arith.index_cast %add3A_264 : i32 to index
          %get3A_301 = arith.constant 80 : index
          %get3A_302 = tpu.vector_load %arg13[%get3A_300, %get3A_301] {strides = array<i32>} : memref<80x128xf32, #tpu.memory_space<vmem>>, vector<16xf32>,
          %get3A_303 = arith.index_cast %add3A_264 : i32 to index
          %get3A_304 = arith.constant 80 : index
          %get3A_305 = tpu.vector_load %arg14[%get3A_303, %get3A_304] {strides = array<i32>} : memref<80x128xf32, #tpu.memory_space<vmem>>, vector<16xf32>,
          %mul3A_306 = arith.mulf %get3A_302, %get3A_305 : vector<16xf32>
          %get3A_307 = arith.index_cast %add3A_264 : i32 to index
          %get3A_308 = arith.constant 96 : index
          %get3A_309 = tpu.vector_load %arg13[%get3A_307, %get3A_308] {strides = array<i32>} : memref<80x128xf32, #tpu.memory_space<vmem>>, vector<16xf32>,
          %get3A_310 = arith.index_cast %add3A_264 : i32 to index
          %get3A_311 = arith.constant 96 : index
          %get3A_312 = tpu.vector_load %arg14[%get3A_310, %get3A_311] {strides = array<i32>} : memref<80x128xf32, #tpu.memory_space<vmem>>, vector<16xf32>,
          %mul3A_313 = arith.mulf %get3A_309, %get3A_312 : vector<16xf32>
          %get3A_314 = arith.index_cast %add3A_264 : i32 to index
          %get3A_315 = arith.constant 112 : index
          %get3A_316 = tpu.vector_load %arg13[%get3A_314, %get3A_315] {strides = array<i32>} : memref<80x128xf32, #tpu.memory_space<vmem>>, vector<16xf32>,
          %get3A_317 = arith.index_cast %add3A_264 : i32 to index
          %get3A_318 = arith.constant 112 : index
          %get3A_319 = tpu.vector_load %arg14[%get3A_317, %get3A_318] {strides = array<i32>} : memref<80x128xf32, #tpu.memory_space<vmem>>, vector<16xf32>,
          %mul3A_320 = arith.mulf %get3A_316, %get3A_319 : vector<16xf32>
          %add3A_321 = arith.addf %mul3A_271, %mul3A_278 : vector<16xf32>
          %add3A_322 = arith.addf %mul3A_285, %mul3A_292 : vector<16xf32>
          %add3A_323 = arith.addf %mul3A_299, %mul3A_306 : vector<16xf32>
          %add3A_324 = arith.addf %mul3A_313, %mul3A_320 : vector<16xf32>
          %add3A_325 = arith.addf %add3A_321, %add3A_322 : vector<16xf32>
          %add3A_326 = arith.addf %add3A_323, %add3A_324 : vector<16xf32>
          %add3A_327 = arith.addf %add3A_325, %add3A_326 : vector<16xf32>
          %add3A_328 = vector.broadcast %scan3A_263 : i32 to vector<16xi32>
          %add3A_329 = arith.addi %mul3A_154, %add3A_328 : vector<16xi32>
          tpu.vector_store_idx %arg20[%add3A_329], %add3A_327 : memref<256xf32, #tpu.memory_space<vmem>>[vector<16xi32>], vector<16xf32>,
        }
        %scan3A_209 = arith.constant 16 : i32
        %get3A_210 = arith.constant 0 : index
        %get3A_211 = tpu.vector_load %arg20[%get3A_210] {strides = array<i32>} : memref<256xf32, #tpu.memory_space<vmem>>, vector<16xf32>,
        %get3A_212 = arith.constant 16 : index
        %get3A_213 = tpu.vector_load %arg20[%get3A_212] {strides = array<i32>} : memref<256xf32, #tpu.memory_space<vmem>>, vector<16xf32>,
        %add3A_214 = arith.addf %get3A_211, %get3A_213 : vector<16xf32>
        %get3A_215 = arith.constant 32 : index
        %get3A_216 = tpu.vector_load %arg20[%get3A_215] {strides = array<i32>} : memref<256xf32, #tpu.memory_space<vmem>>, vector<16xf32>,
        %add3A_217 = arith.addf %add3A_214, %get3A_216 : vector<16xf32>
        %get3A_218 = arith.constant 48 : index
        %get3A_219 = tpu.vector_load %arg20[%get3A_218] {strides = array<i32>} : memref<256xf32, #tpu.memory_space<vmem>>, vector<16xf32>,
        %add3A_220 = arith.addf %add3A_217, %get3A_219 : vector<16xf32>
        %get3A_221 = arith.constant 64 : index
        %get3A_222 = tpu.vector_load %arg20[%get3A_221] {strides = array<i32>} : memref<256xf32, #tpu.memory_space<vmem>>, vector<16xf32>,
        %add3A_223 = arith.addf %add3A_220, %get3A_222 : vector<16xf32>
        %get3A_224 = arith.constant 80 : index
        %get3A_225 = tpu.vector_load %arg20[%get3A_224] {strides = array<i32>} : memref<256xf32, #tpu.memory_space<vmem>>, vector<16xf32>,
        %add3A_226 = arith.addf %add3A_223, %get3A_225 : vector<16xf32>
        %get3A_227 = arith.constant 96 : index
        %get3A_228 = tpu.vector_load %arg20[%get3A_227] {strides = array<i32>} : memref<256xf32, #tpu.memory_space<vmem>>, vector<16xf32>,
        %add3A_229 = arith.addf %add3A_226, %get3A_228 : vector<16xf32>
        %get3A_230 = arith.constant 112 : index
        %get3A_231 = tpu.vector_load %arg20[%get3A_230] {strides = array<i32>} : memref<256xf32, #tpu.memory_space<vmem>>, vector<16xf32>,
        %add3A_232 = arith.addf %add3A_229, %get3A_231 : vector<16xf32>
        %get3A_233 = arith.constant 128 : index
        %get3A_234 = tpu.vector_load %arg20[%get3A_233] {strides = array<i32>} : memref<256xf32, #tpu.memory_space<vmem>>, vector<16xf32>,
        %add3A_235 = arith.addf %add3A_232, %get3A_234 : vector<16xf32>
        %get3A_236 = arith.constant 144 : index
        %get3A_237 = tpu.vector_load %arg20[%get3A_236] {strides = array<i32>} : memref<256xf32, #tpu.memory_space<vmem>>, vector<16xf32>,
        %add3A_238 = arith.addf %add3A_235, %get3A_237 : vector<16xf32>
        %get3A_239 = arith.constant 160 : index
        %get3A_240 = tpu.vector_load %arg20[%get3A_239] {strides = array<i32>} : memref<256xf32, #tpu.memory_space<vmem>>, vector<16xf32>,
        %add3A_241 = arith.addf %add3A_238, %get3A_240 : vector<16xf32>
        %get3A_242 = arith.constant 176 : index
        %get3A_243 = tpu.vector_load %arg20[%get3A_242] {strides = array<i32>} : memref<256xf32, #tpu.memory_space<vmem>>, vector<16xf32>,
        %add3A_244 = arith.addf %add3A_241, %get3A_243 : vector<16xf32>
        %get3A_245 = arith.constant 192 : index
        %get3A_246 = tpu.vector_load %arg20[%get3A_245] {strides = array<i32>} : memref<256xf32, #tpu.memory_space<vmem>>, vector<16xf32>,
        %add3A_247 = arith.addf %add3A_244, %get3A_246 : vector<16xf32>
        %get3A_248 = arith.constant 208 : index
        %get3A_249 = tpu.vector_load %arg20[%get3A_248] {strides = array<i32>} : memref<256xf32, #tpu.memory_space<vmem>>, vector<16xf32>,
        %add3A_250 = arith.addf %add3A_247, %get3A_249 : vector<16xf32>
        %get3A_251 = arith.constant 224 : index
        %get3A_252 = tpu.vector_load %arg20[%get3A_251] {strides = array<i32>} : memref<256xf32, #tpu.memory_space<vmem>>, vector<16xf32>,
        %add3A_253 = arith.addf %add3A_250, %get3A_252 : vector<16xf32>
        %get3A_254 = arith.constant 240 : index
        %get3A_255 = tpu.vector_load %arg20[%get3A_254] {strides = array<i32>} : memref<256xf32, #tpu.memory_space<vmem>>, vector<16xf32>,
        %add3A_256 = arith.addf %add3A_253, %get3A_255 : vector<16xf32>
        %mul3A_257 = arith.mulf %add3A_256, %get3A_5 : vector<16xf32>
        %add3A_258 = arith.addf %mul3A_257, %get3A_9 : vector<16xf32>
        %mul3A_259 = arith.constant 80 : i32
        %mul3A_260 = arith.muli %add3A_150, %mul3A_259 : i32
        %add3A_261 = arith.addi %mul3A_260, %mul3A_203 : i32
        %swap3A = arith.index_cast %add3A_261 : i32 to index
        %swap3A_262 = tpu.vector_load %arg17[%swap3A] {strides = array<i32>} : memref<10000xf32, #tpu.memory_space<vmem>>, vector<16xf32>,
        tpu.vector_store %arg17[%swap3A], %add3A_258 {strides = array<i32>} : memref<10000xf32, #tpu.memory_space<vmem>>, vector<16xf32>,
      }
      %scan3A_160 = arith.constant 5 : i32
      %add3A_161 = arith.constant 4 : i32
      %add3A_162 = arith.addi %mul3A_84, %add3A_161 : i32
      %mul3A_163 = arith.constant 80 : i32
      %mul3A_164 = arith.muli %add3A_162, %mul3A_163 : i32
      %dma_start3A_165 = tpu.memref_slice %arg9[%mul3A_164] : memref<10000xi32, #tpu.memory_space<vmem>> -> memref<80xi32, #tpu.memory_space<vmem>>
      %dma_start3A_166 = arith.constant 0 : i32
      %dma_start3A_167 = arith.constant 0 : i32
      %dma_start3A_168 = tpu.memref_slice %arg2[%dma_start3A_166, %dma_start3A_167] : memref<10000x128xf32, #tpu.memory_space<hbm>> -> memref<10000x128xf32, #tpu.memory_space<hbm>>
      tpu.enqueue_indirect_dma source(%dma_start3A_168 : memref<10000x128xf32, #tpu.memory_space<hbm>>) target(%arg13 : memref<80x128xf32, #tpu.memory_space<vmem>>) offsets(%dma_start3A_165 : memref<80xi32, #tpu.memory_space<vmem>>) semaphore(%arg22 : memref<!tpu.dma_semaphore, #tpu.memory_space<semaphore_mem>>)
      %mul3A_169 = arith.constant 80 : i32
      %mul3A_170 = arith.muli %add3A_162, %mul3A_169 : i32
      %dma_start3A_171 = tpu.memref_slice %arg10[%mul3A_170] : memref<10000xi32, #tpu.memory_space<vmem>> -> memref<80xi32, #tpu.memory_space<vmem>>
      %dma_start3A_172 = arith.constant 0 : i32
      %dma_start3A_173 = arith.constant 0 : i32
      %dma_start3A_174 = tpu.memref_slice %arg3[%dma_start3A_172, %dma_start3A_173] : memref<10000x128xf32, #tpu.memory_space<hbm>> -> memref<10000x128xf32, #tpu.memory_space<hbm>>
      tpu.enqueue_indirect_dma source(%dma_start3A_174 : memref<10000x128xf32, #tpu.memory_space<hbm>>) target(%arg14 : memref<80x128xf32, #tpu.memory_space<vmem>>) offsets(%dma_start3A_171 : memref<80xi32, #tpu.memory_space<vmem>>) semaphore(%arg22 : memref<!tpu.dma_semaphore, #tpu.memory_space<semaphore_mem>>)
      %add3A_175 = arith.constant 2 : i32
      %add3A_176 = arith.addi %mul3A_84, %add3A_175 : i32
      %mul3A_177 = arith.constant 80 : i32
      %mul3A_178 = arith.muli %add3A_176, %mul3A_177 : i32
      %dma_wait3A_179 = tpu.memref_slice %arg9[%mul3A_178] : memref<10000xi32, #tpu.memory_space<vmem>> -> memref<80xi32, #tpu.memory_space<vmem>>
      %dma_wait3A_180 = arith.constant 0 : i32
      %dma_wait3A_181 = arith.constant 0 : i32
      %dma_wait3A_182 = tpu.memref_slice %arg2[%dma_wait3A_180, %dma_wait3A_181] : memref<10000x128xf32, #tpu.memory_space<hbm>> -> memref<10000x128xf32, #tpu.memory_space<hbm>>
      tpu.wait_indirect_dma semaphore(%arg23 : memref<!tpu.dma_semaphore, #tpu.memory_space<semaphore_mem>>) src(%dma_wait3A_182 : memref<10000x128xf32, #tpu.memory_space<hbm>>) dst(%arg15 : memref<80x128xf32, #tpu.memory_space<vmem>>)
      %mul3A_183 = arith.constant 80 : i32
      %mul3A_184 = arith.muli %add3A_176, %mul3A_183 : i32
      %dma_wait3A_185 = tpu.memref_slice %arg10[%mul3A_184] : memref<10000xi32, #tpu.memory_space<vmem>> -> memref<80xi32, #tpu.memory_space<vmem>>
      %dma_wait3A_186 = arith.constant 0 : i32
      %dma_wait3A_187 = arith.constant 0 : i32
      %dma_wait3A_188 = tpu.memref_slice %arg3[%dma_wait3A_186, %dma_wait3A_187] : memref<10000x128xf32, #tpu.memory_space<hbm>> -> memref<10000x128xf32, #tpu.memory_space<hbm>>
      tpu.wait_indirect_dma semaphore(%arg23 : memref<!tpu.dma_semaphore, #tpu.memory_space<semaphore_mem>>) src(%dma_wait3A_188 : memref<10000x128xf32, #tpu.memory_space<hbm>>) dst(%arg16 : memref<80x128xf32, #tpu.memory_space<vmem>>)
      %add3A_189 = arith.constant 2 : i32
      %add3A_190 = arith.addi %mul3A_84, %add3A_189 : i32
      %iota3A_191 = tpu.iota {dimensions = array<i32: 0>} : vector<16xi32>
      %mul3A_192 = arith.constant 16 : i32
      %mul3A_193 = vector.broadcast %mul3A_192 : i32 to vector<16xi32>
      %mul3A_194 = arith.muli %iota3A_191, %mul3A_193 : vector<16xi32>
      %scan3A_195 = arith.constant 0 : i32
      %scan3A_196 = arith.constant 0 : i32
      %scan3A_197 = arith.constant 5 : i32
      %scan3A_198 = arith.addi %scan3A_196, %scan3A_197 : i32
      %scan3A_199 = arith.constant 1 : i32
      scf.for %scan3A_201 = %scan3A_196 to %scan3A_198 step %scan3A_199  : i32 {
        %mul3A_202 = arith.constant 16 : i32
        %mul3A_203 = arith.muli %scan3A_201, %mul3A_202 : i32
        %scan3A_204 = arith.constant 0 : i32
        %scan3A_205 = arith.constant 0 : i32
        %scan3A_206 = arith.constant 16 : i32
        %scan3A_207 = arith.addi %scan3A_205, %scan3A_206 : i32
        %scan3A_208 = arith.constant 1 : i32
        scf.for %scan3A_263 = %scan3A_205 to %scan3A_207 step %scan3A_208  : i32 {
          %add3A_264 = arith.addi %mul3A_203, %scan3A_263 : i32
          %get3A_265 = arith.index_cast %add3A_264 : i32 to index
          %get3A_266 = arith.constant 0 : index
          %get3A_267 = tpu.vector_load %arg15[%get3A_265, %get3A_266] {strides = array<i32>} : memref<80x128xf32, #tpu.memory_space<vmem>>, vector<16xf32>,
          %get3A_268 = arith.index_cast %add3A_264 : i32 to index
          %get3A_269 = arith.constant 0 : index
          %get3A_270 = tpu.vector_load %arg16[%get3A_268, %get3A_269] {strides = array<i32>} : memref<80x128xf32, #tpu.memory_space<vmem>>, vector<16xf32>,
          %mul3A_271 = arith.mulf %get3A_267, %get3A_270 : vector<16xf32>
          %get3A_272 = arith.index_cast %add3A_264 : i32 to index
          %get3A_273 = arith.constant 16 : index
          %get3A_274 = tpu.vector_load %arg15[%get3A_272, %get3A_273] {strides = array<i32>} : memref<80x128xf32, #tpu.memory_space<vmem>>, vector<16xf32>,
          %get3A_275 = arith.index_cast %add3A_264 : i32 to index
          %get3A_276 = arith.constant 16 : index
          %get3A_277 = tpu.vector_load %arg16[%get3A_275, %get3A_276] {strides = array<i32>} : memref<80x128xf32, #tpu.memory_space<vmem>>, vector<16xf32>,
          %mul3A_278 = arith.mulf %get3A_274, %get3A_277 : vector<16xf32>
          %get3A_279 = arith.index_cast %add3A_264 : i32 to index
          %get3A_280 = arith.constant 32 : index
          %get3A_281 = tpu.vector_load %arg15[%get3A_279, %get3A_280] {strides = array<i32>} : memref<80x128xf32, #tpu.memory_space<vmem>>, vector<16xf32>,
          %get3A_282 = arith.index_cast %add3A_264 : i32 to index
          %get3A_283 = arith.constant 32 : index
          %get3A_284 = tpu.vector_load %arg16[%get3A_282, %get3A_283] {strides = array<i32>} : memref<80x128xf32, #tpu.memory_space<vmem>>, vector<16xf32>,
          %mul3A_285 = arith.mulf %get3A_281, %get3A_284 : vector<16xf32>
          %get3A_286 = arith.index_cast %add3A_264 : i32 to index
          %get3A_287 = arith.constant 48 : index
          %get3A_288 = tpu.vector_load %arg15[%get3A_286, %get3A_287] {strides = array<i32>} : memref<80x128xf32, #tpu.memory_space<vmem>>, vector<16xf32>,
          %get3A_289 = arith.index_cast %add3A_264 : i32 to index
          %get3A_290 = arith.constant 48 : index
          %get3A_291 = tpu.vector_load %arg16[%get3A_289, %get3A_290] {strides = array<i32>} : memref<80x128xf32, #tpu.memory_space<vmem>>, vector<16xf32>,
          %mul3A_292 = arith.mulf %get3A_288, %get3A_291 : vector<16xf32>
          %get3A_293 = arith.index_cast %add3A_264 : i32 to index
          %get3A_294 = arith.constant 64 : index
          %get3A_295 = tpu.vector_load %arg15[%get3A_293, %get3A_294] {strides = array<i32>} : memref<80x128xf32, #tpu.memory_space<vmem>>, vector<16xf32>,
          %get3A_296 = arith.index_cast %add3A_264 : i32 to index
          %get3A_297 = arith.constant 64 : index
          %get3A_298 = tpu.vector_load %arg16[%get3A_296, %get3A_297] {strides = array<i32>} : memref<80x128xf32, #tpu.memory_space<vmem>>, vector<16xf32>,
          %mul3A_299 = arith.mulf %get3A_295, %get3A_298 : vector<16xf32>
          %get3A_300 = arith.index_cast %add3A_264 : i32 to index
          %get3A_301 = arith.constant 80 : index
          %get3A_302 = tpu.vector_load %arg15[%get3A_300, %get3A_301] {strides = array<i32>} : memref<80x128xf32, #tpu.memory_space<vmem>>, vector<16xf32>,
          %get3A_303 = arith.index_cast %add3A_264 : i32 to index
          %get3A_304 = arith.constant 80 : index
          %get3A_305 = tpu.vector_load %arg16[%get3A_303, %get3A_304] {strides = array<i32>} : memref<80x128xf32, #tpu.memory_space<vmem>>, vector<16xf32>,
          %mul3A_306 = arith.mulf %get3A_302, %get3A_305 : vector<16xf32>
          %get3A_307 = arith.index_cast %add3A_264 : i32 to index
          %get3A_308 = arith.constant 96 : index
          %get3A_309 = tpu.vector_load %arg15[%get3A_307, %get3A_308] {strides = array<i32>} : memref<80x128xf32, #tpu.memory_space<vmem>>, vector<16xf32>,
          %get3A_310 = arith.index_cast %add3A_264 : i32 to index
          %get3A_311 = arith.constant 96 : index
          %get3A_312 = tpu.vector_load %arg16[%get3A_310, %get3A_311] {strides = array<i32>} : memref<80x128xf32, #tpu.memory_space<vmem>>, vector<16xf32>,
          %mul3A_313 = arith.mulf %get3A_309, %get3A_312 : vector<16xf32>
          %get3A_314 = arith.index_cast %add3A_264 : i32 to index
          %get3A_315 = arith.constant 112 : index
          %get3A_316 = tpu.vector_load %arg15[%get3A_314, %get3A_315] {strides = array<i32>} : memref<80x128xf32, #tpu.memory_space<vmem>>, vector<16xf32>,
          %get3A_317 = arith.index_cast %add3A_264 : i32 to index
          %get3A_318 = arith.constant 112 : index
          %get3A_319 = tpu.vector_load %arg16[%get3A_317, %get3A_318] {strides = array<i32>} : memref<80x128xf32, #tpu.memory_space<vmem>>, vector<16xf32>,
          %mul3A_320 = arith.mulf %get3A_316, %get3A_319 : vector<16xf32>
          %add3A_321 = arith.addf %mul3A_271, %mul3A_278 : vector<16xf32>
          %add3A_322 = arith.addf %mul3A_285, %mul3A_292 : vector<16xf32>
          %add3A_323 = arith.addf %mul3A_299, %mul3A_306 : vector<16xf32>
          %add3A_324 = arith.addf %mul3A_313, %mul3A_320 : vector<16xf32>
          %add3A_325 = arith.addf %add3A_321, %add3A_322 : vector<16xf32>
          %add3A_326 = arith.addf %add3A_323, %add3A_324 : vector<16xf32>
          %add3A_327 = arith.addf %add3A_325, %add3A_326 : vector<16xf32>
          %add3A_328 = vector.broadcast %scan3A_263 : i32 to vector<16xi32>
          %add3A_329 = arith.addi %mul3A_194, %add3A_328 : vector<16xi32>
          tpu.vector_store_idx %arg20[%add3A_329], %add3A_327 : memref<256xf32, #tpu.memory_space<vmem>>[vector<16xi32>], vector<16xf32>,
        }
        %scan3A_209 = arith.constant 16 : i32
        %get3A_210 = arith.constant 0 : index
        %get3A_211 = tpu.vector_load %arg20[%get3A_210] {strides = array<i32>} : memref<256xf32, #tpu.memory_space<vmem>>, vector<16xf32>,
        %get3A_212 = arith.constant 16 : index
        %get3A_213 = tpu.vector_load %arg20[%get3A_212] {strides = array<i32>} : memref<256xf32, #tpu.memory_space<vmem>>, vector<16xf32>,
        %add3A_214 = arith.addf %get3A_211, %get3A_213 : vector<16xf32>
        %get3A_215 = arith.constant 32 : index
        %get3A_216 = tpu.vector_load %arg20[%get3A_215] {strides = array<i32>} : memref<256xf32, #tpu.memory_space<vmem>>, vector<16xf32>,
        %add3A_217 = arith.addf %add3A_214, %get3A_216 : vector<16xf32>
        %get3A_218 = arith.constant 48 : index
        %get3A_219 = tpu.vector_load %arg20[%get3A_218] {strides = array<i32>} : memref<256xf32, #tpu.memory_space<vmem>>, vector<16xf32>,
        %add3A_220 = arith.addf %add3A_217, %get3A_219 : vector<16xf32>
        %get3A_221 = arith.constant 64 : index
        %get3A_222 = tpu.vector_load %arg20[%get3A_221] {strides = array<i32>} : memref<256xf32, #tpu.memory_space<vmem>>, vector<16xf32>,
        %add3A_223 = arith.addf %add3A_220, %get3A_222 : vector<16xf32>
        %get3A_224 = arith.constant 80 : index
        %get3A_225 = tpu.vector_load %arg20[%get3A_224] {strides = array<i32>} : memref<256xf32, #tpu.memory_space<vmem>>, vector<16xf32>,
        %add3A_226 = arith.addf %add3A_223, %get3A_225 : vector<16xf32>
        %get3A_227 = arith.constant 96 : index
        %get3A_228 = tpu.vector_load %arg20[%get3A_227] {strides = array<i32>} : memref<256xf32, #tpu.memory_space<vmem>>, vector<16xf32>,
        %add3A_229 = arith.addf %add3A_226, %get3A_228 : vector<16xf32>
        %get3A_230 = arith.constant 112 : index
        %get3A_231 = tpu.vector_load %arg20[%get3A_230] {strides = array<i32>} : memref<256xf32, #tpu.memory_space<vmem>>, vector<16xf32>,
        %add3A_232 = arith.addf %add3A_229, %get3A_231 : vector<16xf32>
        %get3A_233 = arith.constant 128 : index
        %get3A_234 = tpu.vector_load %arg20[%get3A_233] {strides = array<i32>} : memref<256xf32, #tpu.memory_space<vmem>>, vector<16xf32>,
        %add3A_235 = arith.addf %add3A_232, %get3A_234 : vector<16xf32>
        %get3A_236 = arith.constant 144 : index
        %get3A_237 = tpu.vector_load %arg20[%get3A_236] {strides = array<i32>} : memref<256xf32, #tpu.memory_space<vmem>>, vector<16xf32>,
        %add3A_238 = arith.addf %add3A_235, %get3A_237 : vector<16xf32>
        %get3A_239 = arith.constant 160 : index
        %get3A_240 = tpu.vector_load %arg20[%get3A_239] {strides = array<i32>} : memref<256xf32, #tpu.memory_space<vmem>>, vector<16xf32>,
        %add3A_241 = arith.addf %add3A_238, %get3A_240 : vector<16xf32>
        %get3A_242 = arith.constant 176 : index
        %get3A_243 = tpu.vector_load %arg20[%get3A_242] {strides = array<i32>} : memref<256xf32, #tpu.memory_space<vmem>>, vector<16xf32>,
        %add3A_244 = arith.addf %add3A_241, %get3A_243 : vector<16xf32>
        %get3A_245 = arith.constant 192 : index
        %get3A_246 = tpu.vector_load %arg20[%get3A_245] {strides = array<i32>} : memref<256xf32, #tpu.memory_space<vmem>>, vector<16xf32>,
        %add3A_247 = arith.addf %add3A_244, %get3A_246 : vector<16xf32>
        %get3A_248 = arith.constant 208 : index
        %get3A_249 = tpu.vector_load %arg20[%get3A_248] {strides = array<i32>} : memref<256xf32, #tpu.memory_space<vmem>>, vector<16xf32>,
        %add3A_250 = arith.addf %add3A_247, %get3A_249 : vector<16xf32>
        %get3A_251 = arith.constant 224 : index
        %get3A_252 = tpu.vector_load %arg20[%get3A_251] {strides = array<i32>} : memref<256xf32, #tpu.memory_space<vmem>>, vector<16xf32>,
        %add3A_253 = arith.addf %add3A_250, %get3A_252 : vector<16xf32>
        %get3A_254 = arith.constant 240 : index
        %get3A_255 = tpu.vector_load %arg20[%get3A_254] {strides = array<i32>} : memref<256xf32, #tpu.memory_space<vmem>>, vector<16xf32>,
        %add3A_256 = arith.addf %add3A_253, %get3A_255 : vector<16xf32>
        %mul3A_257 = arith.mulf %add3A_256, %get3A_5 : vector<16xf32>
        %add3A_258 = arith.addf %mul3A_257, %get3A_9 : vector<16xf32>
        %mul3A_259 = arith.constant 80 : i32
        %mul3A_260 = arith.muli %add3A_190, %mul3A_259 : i32
        %add3A_261 = arith.addi %mul3A_260, %mul3A_203 : i32
        %swap3A = arith.index_cast %add3A_261 : i32 to index
        %swap3A_262 = tpu.vector_load %arg17[%swap3A] {strides = array<i32>} : memref<10000xf32, #tpu.memory_space<vmem>>, vector<16xf32>,
        tpu.vector_store %arg17[%swap3A], %add3A_258 {strides = array<i32>} : memref<10000xf32, #tpu.memory_space<vmem>>, vector<16xf32>,
      }
      %scan3A_200 = arith.constant 5 : i32
    }
    %scan3A_43 = arith.constant 41 : i32
    %dma_wait3A = arith.constant 9840 : i32
    %dma_wait3A_44 = tpu.memref_slice %arg9[%dma_wait3A] : memref<10000xi32, #tpu.memory_space<vmem>> -> memref<80xi32, #tpu.memory_space<vmem>>
    %dma_wait3A_45 = arith.constant 0 : i32
    %dma_wait3A_46 = arith.constant 0 : i32
    %dma_wait3A_47 = tpu.memref_slice %arg2[%dma_wait3A_45, %dma_wait3A_46] : memref<10000x128xf32, #tpu.memory_space<hbm>> -> memref<10000x128xf32, #tpu.memory_space<hbm>>
    tpu.wait_indirect_dma semaphore(%arg21 : memref<!tpu.dma_semaphore, #tpu.memory_space<semaphore_mem>>) src(%dma_wait3A_47 : memref<10000x128xf32, #tpu.memory_space<hbm>>) dst(%arg11 : memref<80x128xf32, #tpu.memory_space<vmem>>)
    %dma_wait3A_48 = arith.constant 9840 : i32
    %dma_wait3A_49 = tpu.memref_slice %arg10[%dma_wait3A_48] : memref<10000xi32, #tpu.memory_space<vmem>> -> memref<80xi32, #tpu.memory_space<vmem>>
    %dma_wait3A_50 = arith.constant 0 : i32
    %dma_wait3A_51 = arith.constant 0 : i32
    %dma_wait3A_52 = tpu.memref_slice %arg3[%dma_wait3A_50, %dma_wait3A_51] : memref<10000x128xf32, #tpu.memory_space<hbm>> -> memref<10000x128xf32, #tpu.memory_space<hbm>>
    tpu.wait_indirect_dma semaphore(%arg21 : memref<!tpu.dma_semaphore, #tpu.memory_space<semaphore_mem>>) src(%dma_wait3A_52 : memref<10000x128xf32, #tpu.memory_space<hbm>>) dst(%arg12 : memref<80x128xf32, #tpu.memory_space<vmem>>)
    %iota3A = tpu.iota {dimensions = array<i32: 0>} : vector<16xi32>
    %mul3A_53 = arith.constant 16 : i32
    %mul3A_54 = vector.broadcast %mul3A_53 : i32 to vector<16xi32>
    %mul3A_55 = arith.muli %iota3A, %mul3A_54 : vector<16xi32>
    %scan3A_56 = arith.constant 0 : i32
    %scan3A_57 = arith.constant 0 : i32
    %scan3A_58 = arith.constant 5 : i32
    %scan3A_59 = arith.addi %scan3A_57, %scan3A_58 : i32
    %scan3A_60 = arith.constant 1 : i32
    scf.for %scan3A_82 = %scan3A_57 to %scan3A_59 step %scan3A_60  : i32 {
      %mul3A_83 = arith.constant 16 : i32
      %mul3A_84 = arith.muli %scan3A_82, %mul3A_83 : i32
      %scan3A_85 = arith.constant 0 : i32
      %scan3A_86 = arith.constant 0 : i32
      %scan3A_87 = arith.constant 16 : i32
      %scan3A_88 = arith.addi %scan3A_86, %scan3A_87 : i32
      %scan3A_89 = arith.constant 1 : i32
      scf.for %scan3A_143 = %scan3A_86 to %scan3A_88 step %scan3A_89  : i32 {
        %add3A_144 = arith.addi %mul3A_84, %scan3A_143 : i32
        %get3A_145 = arith.index_cast %add3A_144 : i32 to index
        %get3A_146 = arith.constant 0 : index
        %get3A_147 = tpu.vector_load %arg11[%get3A_145, %get3A_146] {strides = array<i32>} : memref<80x128xf32, #tpu.memory_space<vmem>>, vector<16xf32>,
        %get3A_148 = arith.index_cast %add3A_144 : i32 to index
        %get3A_149 = arith.constant 0 : index
        %get3A_150 = tpu.vector_load %arg12[%get3A_148, %get3A_149] {strides = array<i32>} : memref<80x128xf32, #tpu.memory_space<vmem>>, vector<16xf32>,
        %mul3A_151 = arith.mulf %get3A_147, %get3A_150 : vector<16xf32>
        %get3A_152 = arith.index_cast %add3A_144 : i32 to index
        %get3A_153 = arith.constant 16 : index
        %get3A_154 = tpu.vector_load %arg11[%get3A_152, %get3A_153] {strides = array<i32>} : memref<80x128xf32, #tpu.memory_space<vmem>>, vector<16xf32>,
        %get3A_155 = arith.index_cast %add3A_144 : i32 to index
        %get3A_156 = arith.constant 16 : index
        %get3A_157 = tpu.vector_load %arg12[%get3A_155, %get3A_156] {strides = array<i32>} : memref<80x128xf32, #tpu.memory_space<vmem>>, vector<16xf32>,
        %mul3A_158 = arith.mulf %get3A_154, %get3A_157 : vector<16xf32>
        %get3A_159 = arith.index_cast %add3A_144 : i32 to index
        %get3A_160 = arith.constant 32 : index
        %get3A_161 = tpu.vector_load %arg11[%get3A_159, %get3A_160] {strides = array<i32>} : memref<80x128xf32, #tpu.memory_space<vmem>>, vector<16xf32>,
        %get3A_162 = arith.index_cast %add3A_144 : i32 to index
        %get3A_163 = arith.constant 32 : index
        %get3A_164 = tpu.vector_load %arg12[%get3A_162, %get3A_163] {strides = array<i32>} : memref<80x128xf32, #tpu.memory_space<vmem>>, vector<16xf32>,
        %mul3A_165 = arith.mulf %get3A_161, %get3A_164 : vector<16xf32>
        %get3A_166 = arith.index_cast %add3A_144 : i32 to index
        %get3A_167 = arith.constant 48 : index
        %get3A_168 = tpu.vector_load %arg11[%get3A_166, %get3A_167] {strides = array<i32>} : memref<80x128xf32, #tpu.memory_space<vmem>>, vector<16xf32>,
        %get3A_169 = arith.index_cast %add3A_144 : i32 to index
        %get3A_170 = arith.constant 48 : index
        %get3A_171 = tpu.vector_load %arg12[%get3A_169, %get3A_170] {strides = array<i32>} : memref<80x128xf32, #tpu.memory_space<vmem>>, vector<16xf32>,
        %mul3A_172 = arith.mulf %get3A_168, %get3A_171 : vector<16xf32>
        %get3A_173 = arith.index_cast %add3A_144 : i32 to index
        %get3A_174 = arith.constant 64 : index
        %get3A_175 = tpu.vector_load %arg11[%get3A_173, %get3A_174] {strides = array<i32>} : memref<80x128xf32, #tpu.memory_space<vmem>>, vector<16xf32>,
        %get3A_176 = arith.index_cast %add3A_144 : i32 to index
        %get3A_177 = arith.constant 64 : index
        %get3A_178 = tpu.vector_load %arg12[%get3A_176, %get3A_177] {strides = array<i32>} : memref<80x128xf32, #tpu.memory_space<vmem>>, vector<16xf32>,
        %mul3A_179 = arith.mulf %get3A_175, %get3A_178 : vector<16xf32>
        %get3A_180 = arith.index_cast %add3A_144 : i32 to index
        %get3A_181 = arith.constant 80 : index
        %get3A_182 = tpu.vector_load %arg11[%get3A_180, %get3A_181] {strides = array<i32>} : memref<80x128xf32, #tpu.memory_space<vmem>>, vector<16xf32>,
        %get3A_183 = arith.index_cast %add3A_144 : i32 to index
        %get3A_184 = arith.constant 80 : index
        %get3A_185 = tpu.vector_load %arg12[%get3A_183, %get3A_184] {strides = array<i32>} : memref<80x128xf32, #tpu.memory_space<vmem>>, vector<16xf32>,
        %mul3A_186 = arith.mulf %get3A_182, %get3A_185 : vector<16xf32>
        %get3A_187 = arith.index_cast %add3A_144 : i32 to index
        %get3A_188 = arith.constant 96 : index
        %get3A_189 = tpu.vector_load %arg11[%get3A_187, %get3A_188] {strides = array<i32>} : memref<80x128xf32, #tpu.memory_space<vmem>>, vector<16xf32>,
        %get3A_190 = arith.index_cast %add3A_144 : i32 to index
        %get3A_191 = arith.constant 96 : index
        %get3A_192 = tpu.vector_load %arg12[%get3A_190, %get3A_191] {strides = array<i32>} : memref<80x128xf32, #tpu.memory_space<vmem>>, vector<16xf32>,
        %mul3A_193 = arith.mulf %get3A_189, %get3A_192 : vector<16xf32>
        %get3A_194 = arith.index_cast %add3A_144 : i32 to index
        %get3A_195 = arith.constant 112 : index
        %get3A_196 = tpu.vector_load %arg11[%get3A_194, %get3A_195] {strides = array<i32>} : memref<80x128xf32, #tpu.memory_space<vmem>>, vector<16xf32>,
        %get3A_197 = arith.index_cast %add3A_144 : i32 to index
        %get3A_198 = arith.constant 112 : index
        %get3A_199 = tpu.vector_load %arg12[%get3A_197, %get3A_198] {strides = array<i32>} : memref<80x128xf32, #tpu.memory_space<vmem>>, vector<16xf32>,
        %mul3A_200 = arith.mulf %get3A_196, %get3A_199 : vector<16xf32>
        %add3A_201 = arith.addf %mul3A_151, %mul3A_158 : vector<16xf32>
        %add3A_202 = arith.addf %mul3A_165, %mul3A_172 : vector<16xf32>
        %add3A_203 = arith.addf %mul3A_179, %mul3A_186 : vector<16xf32>
        %add3A_204 = arith.addf %mul3A_193, %mul3A_200 : vector<16xf32>
        %add3A_205 = arith.addf %add3A_201, %add3A_202 : vector<16xf32>
        %add3A_206 = arith.addf %add3A_203, %add3A_204 : vector<16xf32>
        %add3A_207 = arith.addf %add3A_205, %add3A_206 : vector<16xf32>
        %add3A_208 = vector.broadcast %scan3A_143 : i32 to vector<16xi32>
        %add3A_209 = arith.addi %mul3A_55, %add3A_208 : vector<16xi32>
        tpu.vector_store_idx %arg20[%add3A_209], %add3A_207 : memref<256xf32, #tpu.memory_space<vmem>>[vector<16xi32>], vector<16xf32>,
      }
      %scan3A_90 = arith.constant 16 : i32
      %get3A_91 = arith.constant 0 : index
      %get3A_92 = tpu.vector_load %arg20[%get3A_91] {strides = array<i32>} : memref<256xf32, #tpu.memory_space<vmem>>, vector<16xf32>,
      %get3A_93 = arith.constant 16 : index
      %get3A_94 = tpu.vector_load %arg20[%get3A_93] {strides = array<i32>} : memref<256xf32, #tpu.memory_space<vmem>>, vector<16xf32>,
      %add3A_95 = arith.addf %get3A_92, %get3A_94 : vector<16xf32>
      %get3A_96 = arith.constant 32 : index
      %get3A_97 = tpu.vector_load %arg20[%get3A_96] {strides = array<i32>} : memref<256xf32, #tpu.memory_space<vmem>>, vector<16xf32>,
      %add3A_98 = arith.addf %add3A_95, %get3A_97 : vector<16xf32>
      %get3A_99 = arith.constant 48 : index
      %get3A_100 = tpu.vector_load %arg20[%get3A_99] {strides = array<i32>} : memref<256xf32, #tpu.memory_space<vmem>>, vector<16xf32>,
      %add3A_101 = arith.addf %add3A_98, %get3A_100 : vector<16xf32>
      %get3A_102 = arith.constant 64 : index
      %get3A_103 = tpu.vector_load %arg20[%get3A_102] {strides = array<i32>} : memref<256xf32, #tpu.memory_space<vmem>>, vector<16xf32>,
      %add3A_104 = arith.addf %add3A_101, %get3A_103 : vector<16xf32>
      %get3A_105 = arith.constant 80 : index
      %get3A_106 = tpu.vector_load %arg20[%get3A_105] {strides = array<i32>} : memref<256xf32, #tpu.memory_space<vmem>>, vector<16xf32>,
      %add3A_107 = arith.addf %add3A_104, %get3A_106 : vector<16xf32>
      %get3A_108 = arith.constant 96 : index
      %get3A_109 = tpu.vector_load %arg20[%get3A_108] {strides = array<i32>} : memref<256xf32, #tpu.memory_space<vmem>>, vector<16xf32>,
      %add3A_110 = arith.addf %add3A_107, %get3A_109 : vector<16xf32>
      %get3A_111 = arith.constant 112 : index
      %get3A_112 = tpu.vector_load %arg20[%get3A_111] {strides = array<i32>} : memref<256xf32, #tpu.memory_space<vmem>>, vector<16xf32>,
      %add3A_113 = arith.addf %add3A_110, %get3A_112 : vector<16xf32>
      %get3A_114 = arith.constant 128 : index
      %get3A_115 = tpu.vector_load %arg20[%get3A_114] {strides = array<i32>} : memref<256xf32, #tpu.memory_space<vmem>>, vector<16xf32>,
      %add3A_116 = arith.addf %add3A_113, %get3A_115 : vector<16xf32>
      %get3A_117 = arith.constant 144 : index
      %get3A_118 = tpu.vector_load %arg20[%get3A_117] {strides = array<i32>} : memref<256xf32, #tpu.memory_space<vmem>>, vector<16xf32>,
      %add3A_119 = arith.addf %add3A_116, %get3A_118 : vector<16xf32>
      %get3A_120 = arith.constant 160 : index
      %get3A_121 = tpu.vector_load %arg20[%get3A_120] {strides = array<i32>} : memref<256xf32, #tpu.memory_space<vmem>>, vector<16xf32>,
      %add3A_122 = arith.addf %add3A_119, %get3A_121 : vector<16xf32>
      %get3A_123 = arith.constant 176 : index
      %get3A_124 = tpu.vector_load %arg20[%get3A_123] {strides = array<i32>} : memref<256xf32, #tpu.memory_space<vmem>>, vector<16xf32>,
      %add3A_125 = arith.addf %add3A_122, %get3A_124 : vector<16xf32>
      %get3A_126 = arith.constant 192 : index
      %get3A_127 = tpu.vector_load %arg20[%get3A_126] {strides = array<i32>} : memref<256xf32, #tpu.memory_space<vmem>>, vector<16xf32>,
      %add3A_128 = arith.addf %add3A_125, %get3A_127 : vector<16xf32>
      %get3A_129 = arith.constant 208 : index
      %get3A_130 = tpu.vector_load %arg20[%get3A_129] {strides = array<i32>} : memref<256xf32, #tpu.memory_space<vmem>>, vector<16xf32>,
      %add3A_131 = arith.addf %add3A_128, %get3A_130 : vector<16xf32>
      %get3A_132 = arith.constant 224 : index
      %get3A_133 = tpu.vector_load %arg20[%get3A_132] {strides = array<i32>} : memref<256xf32, #tpu.memory_space<vmem>>, vector<16xf32>,
      %add3A_134 = arith.addf %add3A_131, %get3A_133 : vector<16xf32>
      %get3A_135 = arith.constant 240 : index
      %get3A_136 = tpu.vector_load %arg20[%get3A_135] {strides = array<i32>} : memref<256xf32, #tpu.memory_space<vmem>>, vector<16xf32>,
      %add3A_137 = arith.addf %add3A_134, %get3A_136 : vector<16xf32>
      %mul3A_138 = arith.mulf %add3A_137, %get3A_5 : vector<16xf32>
      %add3A_139 = arith.addf %mul3A_138, %get3A_9 : vector<16xf32>
      %add3A_140 = arith.constant 9840 : i32
      %add3A_141 = arith.addi %add3A_140, %mul3A_84 : i32
      %swap3A = arith.index_cast %add3A_141 : i32 to index
      %swap3A_142 = tpu.vector_load %arg17[%swap3A] {strides = array<i32>} : memref<10000xf32, #tpu.memory_space<vmem>>, vector<16xf32>,
      tpu.vector_store %arg17[%swap3A], %add3A_139 {strides = array<i32>} : memref<10000xf32, #tpu.memory_space<vmem>>, vector<16xf32>,
    }
    %scan3A_61 = arith.constant 5 : i32
    %dma_wait3A_62 = arith.constant 9920 : i32
    %dma_wait3A_63 = tpu.memref_slice %arg9[%dma_wait3A_62] : memref<10000xi32, #tpu.memory_space<vmem>> -> memref<80xi32, #tpu.memory_space<vmem>>
    %dma_wait3A_64 = arith.constant 0 : i32
    %dma_wait3A_65 = arith.constant 0 : i32
    %dma_wait3A_66 = tpu.memref_slice %arg2[%dma_wait3A_64, %dma_wait3A_65] : memref<10000x128xf32, #tpu.memory_space<hbm>> -> memref<10000x128xf32, #tpu.memory_space<hbm>>
    tpu.wait_indirect_dma semaphore(%arg22 : memref<!tpu.dma_semaphore, #tpu.memory_space<semaphore_mem>>) src(%dma_wait3A_66 : memref<10000x128xf32, #tpu.memory_space<hbm>>) dst(%arg13 : memref<80x128xf32, #tpu.memory_space<vmem>>)
    %dma_wait3A_67 = arith.constant 9920 : i32
    %dma_wait3A_68 = tpu.memref_slice %arg10[%dma_wait3A_67] : memref<10000xi32, #tpu.memory_space<vmem>> -> memref<80xi32, #tpu.memory_space<vmem>>
    %dma_wait3A_69 = arith.constant 0 : i32
    %dma_wait3A_70 = arith.constant 0 : i32
    %dma_wait3A_71 = tpu.memref_slice %arg3[%dma_wait3A_69, %dma_wait3A_70] : memref<10000x128xf32, #tpu.memory_space<hbm>> -> memref<10000x128xf32, #tpu.memory_space<hbm>>
    tpu.wait_indirect_dma semaphore(%arg22 : memref<!tpu.dma_semaphore, #tpu.memory_space<semaphore_mem>>) src(%dma_wait3A_71 : memref<10000x128xf32, #tpu.memory_space<hbm>>) dst(%arg14 : memref<80x128xf32, #tpu.memory_space<vmem>>)
    %iota3A_72 = tpu.iota {dimensions = array<i32: 0>} : vector<16xi32>
    %mul3A_73 = arith.constant 16 : i32
    %mul3A_74 = vector.broadcast %mul3A_73 : i32 to vector<16xi32>
    %mul3A_75 = arith.muli %iota3A_72, %mul3A_74 : vector<16xi32>
    %scan3A_76 = arith.constant 0 : i32
    %scan3A_77 = arith.constant 0 : i32
    %scan3A_78 = arith.constant 5 : i32
    %scan3A_79 = arith.addi %scan3A_77, %scan3A_78 : i32
    %scan3A_80 = arith.constant 1 : i32
    scf.for %scan3A_82 = %scan3A_77 to %scan3A_79 step %scan3A_80  : i32 {
      %mul3A_83 = arith.constant 16 : i32
      %mul3A_84 = arith.muli %scan3A_82, %mul3A_83 : i32
      %scan3A_85 = arith.constant 0 : i32
      %scan3A_86 = arith.constant 0 : i32
      %scan3A_87 = arith.constant 16 : i32
      %scan3A_88 = arith.addi %scan3A_86, %scan3A_87 : i32
      %scan3A_89 = arith.constant 1 : i32
      scf.for %scan3A_143 = %scan3A_86 to %scan3A_88 step %scan3A_89  : i32 {
        %add3A_144 = arith.addi %mul3A_84, %scan3A_143 : i32
        %get3A_145 = arith.index_cast %add3A_144 : i32 to index
        %get3A_146 = arith.constant 0 : index
        %get3A_147 = tpu.vector_load %arg13[%get3A_145, %get3A_146] {strides = array<i32>} : memref<80x128xf32, #tpu.memory_space<vmem>>, vector<16xf32>,
        %get3A_148 = arith.index_cast %add3A_144 : i32 to index
        %get3A_149 = arith.constant 0 : index
        %get3A_150 = tpu.vector_load %arg14[%get3A_148, %get3A_149] {strides = array<i32>} : memref<80x128xf32, #tpu.memory_space<vmem>>, vector<16xf32>,
        %mul3A_151 = arith.mulf %get3A_147, %get3A_150 : vector<16xf32>
        %get3A_152 = arith.index_cast %add3A_144 : i32 to index
        %get3A_153 = arith.constant 16 : index
        %get3A_154 = tpu.vector_load %arg13[%get3A_152, %get3A_153] {strides = array<i32>} : memref<80x128xf32, #tpu.memory_space<vmem>>, vector<16xf32>,
        %get3A_155 = arith.index_cast %add3A_144 : i32 to index
        %get3A_156 = arith.constant 16 : index
        %get3A_157 = tpu.vector_load %arg14[%get3A_155, %get3A_156] {strides = array<i32>} : memref<80x128xf32, #tpu.memory_space<vmem>>, vector<16xf32>,
        %mul3A_158 = arith.mulf %get3A_154, %get3A_157 : vector<16xf32>
        %get3A_159 = arith.index_cast %add3A_144 : i32 to index
        %get3A_160 = arith.constant 32 : index
        %get3A_161 = tpu.vector_load %arg13[%get3A_159, %get3A_160] {strides = array<i32>} : memref<80x128xf32, #tpu.memory_space<vmem>>, vector<16xf32>,
        %get3A_162 = arith.index_cast %add3A_144 : i32 to index
        %get3A_163 = arith.constant 32 : index
        %get3A_164 = tpu.vector_load %arg14[%get3A_162, %get3A_163] {strides = array<i32>} : memref<80x128xf32, #tpu.memory_space<vmem>>, vector<16xf32>,
        %mul3A_165 = arith.mulf %get3A_161, %get3A_164 : vector<16xf32>
        %get3A_166 = arith.index_cast %add3A_144 : i32 to index
        %get3A_167 = arith.constant 48 : index
        %get3A_168 = tpu.vector_load %arg13[%get3A_166, %get3A_167] {strides = array<i32>} : memref<80x128xf32, #tpu.memory_space<vmem>>, vector<16xf32>,
        %get3A_169 = arith.index_cast %add3A_144 : i32 to index
        %get3A_170 = arith.constant 48 : index
        %get3A_171 = tpu.vector_load %arg14[%get3A_169, %get3A_170] {strides = array<i32>} : memref<80x128xf32, #tpu.memory_space<vmem>>, vector<16xf32>,
        %mul3A_172 = arith.mulf %get3A_168, %get3A_171 : vector<16xf32>
        %get3A_173 = arith.index_cast %add3A_144 : i32 to index
        %get3A_174 = arith.constant 64 : index
        %get3A_175 = tpu.vector_load %arg13[%get3A_173, %get3A_174] {strides = array<i32>} : memref<80x128xf32, #tpu.memory_space<vmem>>, vector<16xf32>,
        %get3A_176 = arith.index_cast %add3A_144 : i32 to index
        %get3A_177 = arith.constant 64 : index
        %get3A_178 = tpu.vector_load %arg14[%get3A_176, %get3A_177] {strides = array<i32>} : memref<80x128xf32, #tpu.memory_space<vmem>>, vector<16xf32>,
        %mul3A_179 = arith.mulf %get3A_175, %get3A_178 : vector<16xf32>
        %get3A_180 = arith.index_cast %add3A_144 : i32 to index
        %get3A_181 = arith.constant 80 : index
        %get3A_182 = tpu.vector_load %arg13[%get3A_180, %get3A_181] {strides = array<i32>} : memref<80x128xf32, #tpu.memory_space<vmem>>, vector<16xf32>,
        %get3A_183 = arith.index_cast %add3A_144 : i32 to index
        %get3A_184 = arith.constant 80 : index
        %get3A_185 = tpu.vector_load %arg14[%get3A_183, %get3A_184] {strides = array<i32>} : memref<80x128xf32, #tpu.memory_space<vmem>>, vector<16xf32>,
        %mul3A_186 = arith.mulf %get3A_182, %get3A_185 : vector<16xf32>
        %get3A_187 = arith.index_cast %add3A_144 : i32 to index
        %get3A_188 = arith.constant 96 : index
        %get3A_189 = tpu.vector_load %arg13[%get3A_187, %get3A_188] {strides = array<i32>} : memref<80x128xf32, #tpu.memory_space<vmem>>, vector<16xf32>,
        %get3A_190 = arith.index_cast %add3A_144 : i32 to index
        %get3A_191 = arith.constant 96 : index
        %get3A_192 = tpu.vector_load %arg14[%get3A_190, %get3A_191] {strides = array<i32>} : memref<80x128xf32, #tpu.memory_space<vmem>>, vector<16xf32>,
        %mul3A_193 = arith.mulf %get3A_189, %get3A_192 : vector<16xf32>
        %get3A_194 = arith.index_cast %add3A_144 : i32 to index
        %get3A_195 = arith.constant 112 : index
        %get3A_196 = tpu.vector_load %arg13[%get3A_194, %get3A_195] {strides = array<i32>} : memref<80x128xf32, #tpu.memory_space<vmem>>, vector<16xf32>,
        %get3A_197 = arith.index_cast %add3A_144 : i32 to index
        %get3A_198 = arith.constant 112 : index
        %get3A_199 = tpu.vector_load %arg14[%get3A_197, %get3A_198] {strides = array<i32>} : memref<80x128xf32, #tpu.memory_space<vmem>>, vector<16xf32>,
        %mul3A_200 = arith.mulf %get3A_196, %get3A_199 : vector<16xf32>
        %add3A_201 = arith.addf %mul3A_151, %mul3A_158 : vector<16xf32>
        %add3A_202 = arith.addf %mul3A_165, %mul3A_172 : vector<16xf32>
        %add3A_203 = arith.addf %mul3A_179, %mul3A_186 : vector<16xf32>
        %add3A_204 = arith.addf %mul3A_193, %mul3A_200 : vector<16xf32>
        %add3A_205 = arith.addf %add3A_201, %add3A_202 : vector<16xf32>
        %add3A_206 = arith.addf %add3A_203, %add3A_204 : vector<16xf32>
        %add3A_207 = arith.addf %add3A_205, %add3A_206 : vector<16xf32>
        %add3A_208 = vector.broadcast %scan3A_143 : i32 to vector<16xi32>
        %add3A_209 = arith.addi %mul3A_75, %add3A_208 : vector<16xi32>
        tpu.vector_store_idx %arg20[%add3A_209], %add3A_207 : memref<256xf32, #tpu.memory_space<vmem>>[vector<16xi32>], vector<16xf32>,
      }
      %scan3A_90 = arith.constant 16 : i32
      %get3A_91 = arith.constant 0 : index
      %get3A_92 = tpu.vector_load %arg20[%get3A_91] {strides = array<i32>} : memref<256xf32, #tpu.memory_space<vmem>>, vector<16xf32>,
      %get3A_93 = arith.constant 16 : index
      %get3A_94 = tpu.vector_load %arg20[%get3A_93] {strides = array<i32>} : memref<256xf32, #tpu.memory_space<vmem>>, vector<16xf32>,
      %add3A_95 = arith.addf %get3A_92, %get3A_94 : vector<16xf32>
      %get3A_96 = arith.constant 32 : index
      %get3A_97 = tpu.vector_load %arg20[%get3A_96] {strides = array<i32>} : memref<256xf32, #tpu.memory_space<vmem>>, vector<16xf32>,
      %add3A_98 = arith.addf %add3A_95, %get3A_97 : vector<16xf32>
      %get3A_99 = arith.constant 48 : index
      %get3A_100 = tpu.vector_load %arg20[%get3A_99] {strides = array<i32>} : memref<256xf32, #tpu.memory_space<vmem>>, vector<16xf32>,
      %add3A_101 = arith.addf %add3A_98, %get3A_100 : vector<16xf32>
      %get3A_102 = arith.constant 64 : index
      %get3A_103 = tpu.vector_load %arg20[%get3A_102] {strides = array<i32>} : memref<256xf32, #tpu.memory_space<vmem>>, vector<16xf32>,
      %add3A_104 = arith.addf %add3A_101, %get3A_103 : vector<16xf32>
      %get3A_105 = arith.constant 80 : index
      %get3A_106 = tpu.vector_load %arg20[%get3A_105] {strides = array<i32>} : memref<256xf32, #tpu.memory_space<vmem>>, vector<16xf32>,
      %add3A_107 = arith.addf %add3A_104, %get3A_106 : vector<16xf32>
      %get3A_108 = arith.constant 96 : index
      %get3A_109 = tpu.vector_load %arg20[%get3A_108] {strides = array<i32>} : memref<256xf32, #tpu.memory_space<vmem>>, vector<16xf32>,
      %add3A_110 = arith.addf %add3A_107, %get3A_109 : vector<16xf32>
      %get3A_111 = arith.constant 112 : index
      %get3A_112 = tpu.vector_load %arg20[%get3A_111] {strides = array<i32>} : memref<256xf32, #tpu.memory_space<vmem>>, vector<16xf32>,
      %add3A_113 = arith.addf %add3A_110, %get3A_112 : vector<16xf32>
      %get3A_114 = arith.constant 128 : index
      %get3A_115 = tpu.vector_load %arg20[%get3A_114] {strides = array<i32>} : memref<256xf32, #tpu.memory_space<vmem>>, vector<16xf32>,
      %add3A_116 = arith.addf %add3A_113, %get3A_115 : vector<16xf32>
      %get3A_117 = arith.constant 144 : index
      %get3A_118 = tpu.vector_load %arg20[%get3A_117] {strides = array<i32>} : memref<256xf32, #tpu.memory_space<vmem>>, vector<16xf32>,
      %add3A_119 = arith.addf %add3A_116, %get3A_118 : vector<16xf32>
      %get3A_120 = arith.constant 160 : index
      %get3A_121 = tpu.vector_load %arg20[%get3A_120] {strides = array<i32>} : memref<256xf32, #tpu.memory_space<vmem>>, vector<16xf32>,
      %add3A_122 = arith.addf %add3A_119, %get3A_121 : vector<16xf32>
      %get3A_123 = arith.constant 176 : index
      %get3A_124 = tpu.vector_load %arg20[%get3A_123] {strides = array<i32>} : memref<256xf32, #tpu.memory_space<vmem>>, vector<16xf32>,
      %add3A_125 = arith.addf %add3A_122, %get3A_124 : vector<16xf32>
      %get3A_126 = arith.constant 192 : index
      %get3A_127 = tpu.vector_load %arg20[%get3A_126] {strides = array<i32>} : memref<256xf32, #tpu.memory_space<vmem>>, vector<16xf32>,
      %add3A_128 = arith.addf %add3A_125, %get3A_127 : vector<16xf32>
      %get3A_129 = arith.constant 208 : index
      %get3A_130 = tpu.vector_load %arg20[%get3A_129] {strides = array<i32>} : memref<256xf32, #tpu.memory_space<vmem>>, vector<16xf32>,
      %add3A_131 = arith.addf %add3A_128, %get3A_130 : vector<16xf32>
      %get3A_132 = arith.constant 224 : index
      %get3A_133 = tpu.vector_load %arg20[%get3A_132] {strides = array<i32>} : memref<256xf32, #tpu.memory_space<vmem>>, vector<16xf32>,
      %add3A_134 = arith.addf %add3A_131, %get3A_133 : vector<16xf32>
      %get3A_135 = arith.constant 240 : index
      %get3A_136 = tpu.vector_load %arg20[%get3A_135] {strides = array<i32>} : memref<256xf32, #tpu.memory_space<vmem>>, vector<16xf32>,
      %add3A_137 = arith.addf %add3A_134, %get3A_136 : vector<16xf32>
      %mul3A_138 = arith.mulf %add3A_137, %get3A_5 : vector<16xf32>
      %add3A_139 = arith.addf %mul3A_138, %get3A_9 : vector<16xf32>
      %add3A_140 = arith.constant 9920 : i32
      %add3A_141 = arith.addi %add3A_140, %mul3A_84 : i32
      %swap3A = arith.index_cast %add3A_141 : i32 to index
      %swap3A_142 = tpu.vector_load %arg17[%swap3A] {strides = array<i32>} : memref<10000xf32, #tpu.memory_space<vmem>>, vector<16xf32>,
      tpu.vector_store %arg17[%swap3A], %add3A_139 {strides = array<i32>} : memref<10000xf32, #tpu.memory_space<vmem>>, vector<16xf32>,
    }
    %scan3A_81 = arith.constant 5 : i32
    "tpu.region"() ({
      %run_scoped3A = tpu.sem_alloc : memref<!tpu.dma_semaphore, #tpu.memory_space<semaphore_mem>>
      %dma_start3A_82 = tpu.memref_slice %arg7[%mul3A_2] : memref<320000xf32, #tpu.memory_space<hbm>> -> memref<10000xf32, #tpu.memory_space<hbm>>
      %dma_start3A_83 = tpu.memref_slice %arg7[%mul3A_2] : memref<320000xf32, #tpu.memory_space<hbm>> -> memref<10000xf32, #tpu.memory_space<hbm>>
      tpu.enqueue_dma source(%arg17 : memref<10000xf32, #tpu.memory_space<vmem>>) target(%dma_start3A_83 : memref<10000xf32, #tpu.memory_space<hbm>>) target_semaphore(%run_scoped3A : memref<!tpu.dma_semaphore, #tpu.memory_space<semaphore_mem>>)
      %dma_wait3A_84 = tpu.memref_slice %arg7[%mul3A_2] : memref<320000xf32, #tpu.memory_space<hbm>> -> memref<10000xf32, #tpu.memory_space<hbm>>
      %dma_wait3A_85 = tpu.memref_slice %arg7[%mul3A_2] : memref<320000xf32, #tpu.memory_space<hbm>> -> memref<10000xf32, #tpu.memory_space<hbm>>
      tpu.wait_dma2 semaphore(%run_scoped3A : memref<!tpu.dma_semaphore, #tpu.memory_space<semaphore_mem>>) src(%arg17 : memref<10000xf32, #tpu.memory_space<vmem>>) dst(%dma_wait3A_85 : memref<10000xf32, #tpu.memory_space<hbm>>)
      tpu.yield
    }) : () -> ()
    "tpu.region"() ({
      %run_scoped3A = tpu.sem_alloc : memref<!tpu.dma_semaphore, #tpu.memory_space<semaphore_mem>>
      %dma_start3A_82 = tpu.memref_slice %arg8[%mul3A_2] : memref<320000xf32, #tpu.memory_space<hbm>> -> memref<10000xf32, #tpu.memory_space<hbm>>
      %dma_start3A_83 = tpu.memref_slice %arg8[%mul3A_2] : memref<320000xf32, #tpu.memory_space<hbm>> -> memref<10000xf32, #tpu.memory_space<hbm>>
      tpu.enqueue_dma source(%arg18 : memref<10000xf32, #tpu.memory_space<vmem>>) target(%dma_start3A_83 : memref<10000xf32, #tpu.memory_space<hbm>>) target_semaphore(%run_scoped3A : memref<!tpu.dma_semaphore, #tpu.memory_space<semaphore_mem>>)
      %dma_wait3A_84 = tpu.memref_slice %arg8[%mul3A_2] : memref<320000xf32, #tpu.memory_space<hbm>> -> memref<10000xf32, #tpu.memory_space<hbm>>
      %dma_wait3A_85 = tpu.memref_slice %arg8[%mul3A_2] : memref<320000xf32, #tpu.memory_space<hbm>> -> memref<10000xf32, #tpu.memory_space<hbm>>
      tpu.wait_dma2 semaphore(%run_scoped3A : memref<!tpu.dma_semaphore, #tpu.memory_space<semaphore_mem>>) src(%arg18 : memref<10000xf32, #tpu.memory_space<vmem>>) dst(%dma_wait3A_85 : memref<10000xf32, #tpu.memory_space<hbm>>)
      tpu.yield
    }) : () -> ()
    return
  }
}

</mosaic_0001>

<sc_bundles>
// kernel: _run.3.cloned.1.call-start
scs
__scs_entry_jumppad:
0x0: {  	(pc) =	sbr.rel $0x88, $3  }
0x1: {  	(tag) =	ssettag $0x0;
	lr =	simm.s32 $0x1  }
0x2: {  	[smem:$0x3F9C] =	sst lr;
	_ =	strace $0xD0000000  }
0x3: {  	_ = 	snop  }
0x4: {  	_ = 	snop  }
0x5: {  	_ = 	snop  }
0x6: {  	_ = 	snop  }
0x7: {  	_ = 	snop  }
__scs_overlays_trampoline_lowered:
0x8: {  	[smem:$0x3FAB] =	sst s0  }
0x9: {  	[smem:$0x3FAC] =	sst s1  }
0xa: {  	[smem:$0x3FAD] =	sst s2  }
0xb: {  	[smem:$0x3FAE] =	sst s3  }
0xc: {  	[smem:$0x3FAF] =	sst s4  }
0xd: {  	[smem:$0x3FB0] =	sst s5  }
0xe: {  	[smem:$0x3FB1] =	sst s6  }
0xf: {  	[smem:$0x3FB2] =	sst s7  }
0x10: {  	[smem:$0x3FB3] =	sst s8  }
0x11: {  	[smem:$0x3FB4] =	sst s9;
	s0 =	simm.s32 @!p0 $0x0  }
0x12: {  	s1 =	sld [smem:$0x3F9A];
	s0 =	simm.s32 @p0 $0x1  }
0x13: {  	[smem:$0x3FB5] =	sst s0;
	s0 =	simm.s32 @!p1 $0x0  }
0x14: {  	s2 =	sld [smem:$0x3F99];
	s0 =	simm.s32 @p1 $0x1  }
0x15: {  	[smem:$0x3FB6] =	sst s0;
	s0 =	simm.s32 @!p2 $0x0  }
0x16: {  	s3 =	sld [smem:$0x3FDB];
	s0 =	simm.s32 @p2 $0x1  }
0x17: {  	s4 =	simm.s32 $0x1BF5;
	[smem:$0x3FB8] =	sst s0  }
0x18: {  	s0 =	sld [smem:$0x3F9B];
	_ =	swait.ge [sflag:s4], $0x0  }
0x19: {  	s7 =	sld [smem:$0x3F9C]  }
0x1a: {  	s8 =	sadd.s32 $0xFFFFE003, lr  }
0x1b: {  	s9 =	sadd.s32 $0xFFFFFEF7, lr;
	s5 =	simm.s32 $0xFFFFFFFF;
	p2 =	slt.u32 s8, $0xFFFFF086  }
0x1c: {  	p1 =	slt.u32 s9, $0xF7A;
	s5 =	simm.s32 @!p2 $0x0  }
0x1d: {  	s5 =	simm.s32 @p1 $0x1;
	p0 =	seq.s32 s7, s2  }
0x1e: {  	s7 =	smul.u32 @!p0 $0xF7A, s2;
	p2 =	seq.s32 @!p0 s5, $0x0  }
0x1f: {  	s9 =	smul.u32 $0xF7A, s1;
	s8 =	simm.s32 @!p0 $0x1BF5;
	p2 =	por !p2, p0  }
0x20: {  	[sflag:s8] =	ssyncset.s32 @!p0 $0xFFFFF086;
	s6 =	sadd.s32 @!p0 s3, s7;
	s7 =	simm.s32 @!p0 $0x108  }
0x21: {  	s3 =	sadd.s32 s3, s9;
	s6 =	sadd.s32 @!p0 $0x88, s6;
	s7 =	simm.s32 @p2 $0x1082  }
0x22: {  	[simem:s7], [sflag:s8] =	dma.local @!p0 [hbm:s6], $0xF7A  }
0x23: {  	s9 =	sor.u32 $0xD0000000, s2;
	s6 =	simm.s32 $0x108;
	_ =	swait.ge @!p0 [sflag:s8], $0x0  }
0x24: {  	s3 =	sadd.s32 $0x88, s3;
	s6 =	simm.s32 @!p1 $0x1082;
	[sflag:s4] =	ssyncset.s32 $0xFFFFF086  }
0x25: {  	[simem:s6], [sflag:s4] =	dma.local [hbm:s3], $0xF7A  }
0x26: {  	[smem:$0x3F9C] =	sst s1;
	(tag) =	ssettag s2;
	_ =	strace s9  }
0x27: {  	s1 =	sld [smem:$0x3FAC]  }
0x28: {  	s2 =	sld [smem:$0x3FAD]  }
0x29: {  	s4 =	sld [smem:$0x3FAF]  }
0x2a: {  	p0 =	seq.s32 s5, $0x0;
	s5 =	sld [smem:$0x3FB0]  }
0x2b: {  	s6 =	sld [smem:$0x3FB1]  }
0x2c: {  	s7 =	sld [smem:$0x3FB2]  }
0x2d: {  	s3 =	simm.s32 $0x108;
	s8 =	sld [smem:$0x3FB3]  }
0x2e: {  	s3 =	simm.s32 @!p0 $0x1082;
	s9 =	sld [smem:$0x3FB4]  }
0x2f: {  	lr =	sadd.s32 s0, s3;
	s0 =	sld [smem:$0x3FAB]  }
0x30: {  	s3 =	sld [smem:$0x3FAE]  }
0x31: {  	[smem:$0x3FB7] =	sst s10  }
0x32: {  	s10 =	sld [smem:$0x3FB5];
	_ =	sdelay $0x3  }
0x33: {  	p0 =	seq.s32 s10, $0x1;
	s10 =	sld [smem:$0x3FB7];
	_ =	sdelay $0x3  }
0x34: {  	[smem:$0x3FB7] =	sst s10  }
0x35: {  	s10 =	sld [smem:$0x3FB6];
	_ =	sdelay $0x3  }
0x36: {  	p1 =	seq.s32 s10, $0x1;
	s10 =	sld [smem:$0x3FB7];
	_ =	sdelay $0x3  }
0x37: {  	[smem:$0x3FB7] =	sst s10  }
0x38: {  	s10 =	sld [smem:$0x3FB8]  }
0x39: {  	_ = 	snop;
	(pc) =	sbr.ind lr, $3  }
0x3a: {  	_ = 	snop  }
0x3b: {  	_ = 	snop  }
0x3c: {  	p2 =	seq.s32 s10, $0x1;
	s10 =	sld [smem:$0x3FB7]  }
0x3d: {  	_ =	shalt  }
0x3e: {  	_ =	shalt  }
0x3f: {  	_ =	shalt  }
0x40: {  	_ =	shalt  }
0x41: {  	_ =	shalt  }
0x42: {  	_ =	shalt  }
0x43: {  	_ =	shalt  }
0x44: {  	_ =	shalt  }
0x45: {  	_ =	shalt  }
0x46: {  	_ =	shalt  }
0x47: {  	_ =	shalt  }
0x48: {  	_ =	shalt  }
0x49: {  	_ =	shalt  }
0x4a: {  	_ =	shalt  }
0x4b: {  	_ =	shalt  }
0x4c: {  	_ =	shalt  }
0x4d: {  	_ =	shalt  }
0x4e: {  	_ =	shalt  }
0x4f: {  	_ =	shalt  }
0x50: {  	_ =	shalt  }
0x51: {  	_ =	shalt  }
0x52: {  	_ =	shalt  }
0x53: {  	_ =	shalt  }
0x54: {  	_ =	shalt  }
0x55: {  	_ =	shalt  }
0x56: {  	_ =	shalt  }
0x57: {  	_ =	shalt  }
0x58: {  	_ =	shalt  }
0x59: {  	_ =	shalt  }
0x5a: {  	_ =	shalt  }
0x5b: {  	_ =	shalt  }
0x5c: {  	_ =	shalt  }
0x5d: {  	_ =	shalt  }
0x5e: {  	_ =	shalt  }
0x5f: {  	_ =	shalt  }
0x60: {  	_ =	shalt  }
0x61: {  	_ =	shalt  }
0x62: {  	_ =	shalt  }
0x63: {  	_ =	shalt  }
0x64: {  	_ =	shalt  }
0x65: {  	_ =	shalt  }
0x66: {  	_ =	shalt  }
0x67: {  	_ =	shalt  }
0x68: {  	_ =	shalt  }
0x69: {  	_ =	shalt  }
0x6a: {  	_ =	shalt  }
0x6b: {  	_ =	shalt  }
0x6c: {  	_ =	shalt  }
0x6d: {  	_ =	shalt  }
0x6e: {  	_ =	shalt  }
0x6f: {  	_ =	shalt  }
0x70: {  	_ =	shalt  }
0x71: {  	_ =	shalt  }
0x72: {  	_ =	shalt  }
0x73: {  	_ =	shalt  }
0x74: {  	_ =	shalt  }
0x75: {  	_ =	shalt  }
0x76: {  	_ =	shalt  }
0x77: {  	_ =	shalt  }
0x78: {  	_ =	shalt  }
0x79: {  	_ =	shalt  }
0x7a: {  	_ =	shalt  }
0x7b: {  	_ =	shalt  }
0x7c: {  	_ =	shalt  }
0x7d: {  	_ =	shalt  }
0x7e: {  	_ =	shalt  }
0x7f: {  	_ =	shalt  }
0x80: {  	_ =	shalt  }
0x81: {  	_ =	shalt  }
0x82: {  	_ =	shalt  }
0x83: {  	_ =	shalt  }
0x84: {  	_ =	shalt  }
0x85: {  	_ =	shalt  }
0x86: {  	_ =	shalt  }
0x87: {  	_ =	shalt  }
.Lfunc_end0:
.L_simem_size_0:
called_computation_lowered:
.L_overlay_start_0:
0x88: {  	s2 =	sld [smem:$0x3FD9]  }
0x89: {  	s3 =	sld [smem:$0x3FFE];
	_ =	sdelay $0x1  }
0x8a: {  	s1 =	srdreg.scid  }
0x8b: {  	s0 =	sand.u32 $0x1, s1  }
0x8c: {  	s17 =	sshll.u32 s0, $0xA;
	s2 =	sadd.s32 s3, s2  }
0x8d: {  	s2 =	sadd.s32 s2, s17  }
0x8e: {  	[smem:$0x3FC3] =	sst s2  }
0x8f: {  	_ = 	snop  }
0x90: {  	s2 =	sld [smem:$0x3FC9]  }
0x91: {  	s18 =	sld [smem:$0x3FC8]  }
0x92: {  	s4 =	sld [smem:$0x3FC7]  }
0x93: {  	s5 =	sld [smem:$0x3FC6]  }
0x94: {  	s6 =	sld [smem:$0x3FC5]  }
0x95: {  	s7 =	sld [smem:$0x3FD0];
	(tm) =	ssettm $0x1  }
0x96: {  	s8 =	sld [smem:$0x3FFB];
	_ =	sdelay $0x3  }
0x97: {  	_ =	strace s8  }
0x98: {  	s8 =	sld [smem:$0x3FFC];
	_ =	sdelay $0x3  }
0x99: {  	_ =	strace s8  }
0x9a: {  	s8 =	sld [smem:$0x3FFD];
	_ =	sdelay $0x3  }
0x9b: {  	_ =	strace s8  }
0x9c: {  	_ =	strace $0x8FFFFFFF  }
0x9d: {  	s19 =	sld [smem:$0x3FDB];
	_ =	sdelay $0x1  }
0x9e: {  	s9 =	simm.s32 $_scs_section_size  }
0x9f: {  	s10 =	simm.s32 $_size__tile_overlayer_lowered;
	s11 =	simm.s32 $_tile_overlayer_lowered  }
0xa0: {  	s22 =	simm.s32 $0x1BFF;
	s21 =	sshll.u32 s11, $0x1;
	s8 =	sadd.s32 s9, s19  }
0xa1: {  	s12 =	simm.s32 $0x0;
	s20 =	sshll.u32 s10, $0x1;
	s10 =	sadd.s32 s21, s8  }
0xa2: {  	[timem:s12], [sflag:s22] =	dma.local [hbm:s10], s20  }
0xa3: {  	_ =	swait.ge [sflag:s22], s20  }
0xa4: {  	s9 =	ssub.s32 $0x0, s20;
	[sflag:s22] =	ssyncset.done $0x0  }
0xa5: {  	[sflag:s22] =	ssyncadd.s32 s9;
	_ =	sdelay $0x1  }
0xa6: {  	s23 =	simm.s32 $0x1B8B  }
0xa7: {  	_ =	swait.ge [sflag:s23], $0x1  }
0xa8: {  	[sflag:s23] =	ssyncset.done $0x0  }
0xa9: {  	s25 =	simm.s32 $0x1B8E;
	s24 =	sld [smem:$0x3FFE];
	[sflag:s23] =	ssyncadd.s32 $0xFFFFFFFF  }
0xaa: {  	s26 =	simm.s32 $execute0_lowered;
	[smem:$0x3FD2] =	sst s25  }
0xab: {  	s10 =	sshll.u32 s26, $0x1;
	_ =	strace $0x80000046;
	[dreg:$0x1] =	wrdreg $0xFFFFFFFF  }
0xac: {  	s28 =	simm.s32 $_size_execute0_lowered;
	s8 =	sadd.s32 s8, s10;
	[dreg:$0x0] =	wrdreg $0x0  }
0xad: {  	s10 =	sshll.u32 s28, $0x1;
	[dreg:$0x2] =	wrdreg s8  }
0xae: {  	[dreg:$0x3] =	wrdreg s10  }
0xaf: {  	[dreg:$0x4] =	wrdreg $0xC0  }
0xb0: {  	_ =	task [dreg:s12], $0x5FFFF  }
0xb1: {  	[dreg:$0x1] =	wrdreg $0xFFFFFFFF  }
0xb2: {  	[dreg:$0x0] =	wrdreg $0x60  }
0xb3: {  	[dreg:$0x2] =	wrdreg s2  }
0xb4: {  	[dreg:$0x3] =	wrdreg s18  }
0xb5: {  	[dreg:$0x4] =	wrdreg s4  }
0xb6: {  	[dreg:$0x5] =	wrdreg s5  }
0xb7: {  	[dreg:$0x6] =	wrdreg s6  }
0xb8: {  	[dreg:$0x7] =	wrdreg s7  }
0xb9: {  	[dreg:$0x8] =	wrdreg s24  }
0xba: {  	[dreg:$0x9] =	wrdreg $0x9  }
0xbb: {  	_ =	task.clear_ibuf [dreg:s12], $0xAFFFF;
	_ =	strace $0x90000046  }
0xbc: {  	s29 =	simm.s32 $0x9;
	_ =	strace $0x80000048  }
0xbd: {  	_ =	swait.ge [sflag:s29], $0x1  }
0xbe: {  	[sflag:s29] =	ssyncadd.s32 $0xFFFFFFFF  }
0xbf: {  	_ =	strace $0x90000048  }
0xc0: {  	_ =	sfence  }
0xc1: {  	s30 =	sld [smem:$0x0];
	_ =	sdelay $0x2  }
0xc2: {  	s31 =	sshll.u32 s1, $0xD;
	s1 =	sshrl.u32 s1, $0x2  }
0xc3: {  	s3 =	sand.u32 $0x4000, s31;
	s1 =	sadd.s32 s1, s30  }
0xc4: {  	s0 =	sor.u32 s3, s0;
	s1 =	sshll.u32 s1, $0x11  }
0xc5: {  	s0 =	sor.u32 s1, s0  }
0xc6: {  	s0 =	sadd.s32 $0x8F2B, s0  }
0xc7: {  	[sflag:s0] =	ssyncadd.remote.s32 $0x1  }
0xc8: {  	_ =	sfence.sel $0xFFFF  }
0xc9: {  	[dreg:$0x0] =	wrdreg $0xFFFFFFFF;
	(pc) =	sbr.abs _section_cstart, $3  }
0xca: {  	[dreg:$0x1] =	wrdreg $0xFFFFFFFF  }
0xcb: {  	_ =	task.clear_ibuf [dreg:s12], $0x2FFFF;
	_ =	strace $0x9FFFFFFF  }
0xcc: {  	(tm) =	ssettm $0x7FFFFFFF  }
0xcd: {  	_ =	shalt  }
tec
execute0_lowered:
.L_overlay_start_1:
0x0: {  	(tag) =	ssettag $0x1  }
0x1: {  	s0 =	rddreg [dreg:$0x0]  }
0x2: {  	s1 =	rddreg [dreg:$0x1]  }
0x3: {  	s2 =	rddreg [dreg:$0x2]  }
0x4: {  	s3 =	rddreg [dreg:$0x3];
	s4 =	srdreg.scid  }
0x5: {  	s5 =	stileid.u32;
	s6 =	rddreg [dreg:$0x5]  }
0x6: {  	s7 =	rddreg [dreg:$0x6];
	s11 =	simm.s32 $0x4;
	s14 =	simm.s32 $0x50  }
0x7: {  	s15 =	simm.s32 $0x4F00;
	s16 =	simm.s32 $0x7700;
	s17 =	simm.s32 $0x9F00  }
0x8: {  	s19 =	simm.s32 $0xC700;
	s20 =	simm.s32 $0xEF00;
	s21 =	simm.s32 $0x11700  }
0x9: {  	s22 =	simm.s32 $0x1;
	s23 =	simm.s32 $0x19000;
	s24 =	simm.s32 $0x2  }
0xa: {  	s25 =	simm.s32 $0x3;
	s4 =	sand.u32 $0x1, s4;
	s5 =	sshll.u32 s5, $0x1  }
0xb: {  	s8 =	sor.u32 s4, s5;
	s5 =	simm.s32 $0x0;
	s4 =	ssub.s32 $0x2, s4  }
0xc: {  	s8 =	smul.u32 $0x4E2, s8;
	[smem:$0x7FF] =	sst s5;
	s9 =	sshrl.u32 s4, $0x1  }
0xd: {  	s29 =	simm.s32 $0x0;
	_ =	strace $0x80000047;
	s4 =	ssub.s32 s4, s9  }
0xe: {  	s7 =	sadd.s32 s8, s7;
	s2 =	sadd.s32 s2, s8;
	s31 =	sadd.s32 s3, s8  }
0xf: {  	v0 =	vlaneseq.u32;
	s8 =	sadd.s32 s6, s8;
	s10 =	smax.u32 s4, $0x1;
	[dreg:$0x8] =	wrdreg s2  }
0x10: {  	v0 =	vmul.u32 $0x10, v0;
	s4 =	simm.s32 $0x2780;
	[dreg:$0x9] =	wrdreg s31;
	s9 =	sadd.s32 $0xA00, s7  }
.LBB2_1:
0x11: {  	s2 =	rddreg [dreg:$0x8]  }
0x12: {  	[tilespmem:s5], [sflag:$0x4] =	stream.linear.gather [hbm4b:s2+s5], $0x2710, $0x38;
	[tilespmem:$0x19100] =	vst v63  }
0x13: {  	_ =	swait.ge [sflag:s11], $0x2710  }
0x14: {  	[sflag:s11] =	ssyncset.done $0x0  }
0x15: {  	s30 =	rddreg [dreg:$0x9];
	[sflag:s11] =	ssyncadd.s32 $0xFFFFD8F0  }
0x16: {  	[tilespmem:s4], [sflag:$0x4] =	stream.linear.gather [hbm4b:s30+s5], $0x2710, $0x38;
	[tilespmem:$0x19100] =	vst v63  }
0x17: {  	_ =	swait.ge [sflag:s11], $0x2710  }
0x18: {  	[sflag:s11] =	ssyncset.done $0x0  }
0x19: {  	[sflag:s11] =	ssyncadd.s32 $0xFFFFD8F0  }
0x1a: {  	s3 =	simm.s32 $0x18E00;
	s31 =	rddreg [dreg:$0x4]  }
0x1b: {  	[tilespmem:s3], [sflag:$0x4] =	stream.linear.gather [hbm4b:s31+s5], $0x180, $0x38;
	[tilespmem:$0x19100] =	vst v63  }
0x1c: {  	_ =	swait.ge [sflag:s11], $0x180  }
0x1d: {  	[sflag:s11] =	ssyncset.done $0x0  }
0x1e: {  	[sflag:s11] =	ssyncadd.s32 $0xFFFFFE80  }
0x1f: {  	v3 =	vld [tilespmem:$0x18F00];
	_ =	sdelay $0x2  }
0x20: {  	v1 =	vld [tilespmem:$0x18E00]  }
0x21: {  	s2 =	simm.s32 $0x40;
	s3 =	simm.s32 $0x0;
	v2 =	vld [tilespmem:$0x18E80]  }
.LBB2_2:
0x22: {  	p0 =	sne.s32 s2, $0x9C00;
	[tilespmem:s3+$0x16680] =	vst v3;
	s3 =	smov.u32 s2;
	s2 =	sadd.s32 $0x40, s2  }
.Ltmp0:
0x23: {  	(pc) =	sbr.rel @p0 .LBB2_2-.Ltmp0, $2  }
0x24: {  	_ =	sdelay $0x2  }
0x25: {  	s3 =	sshra.s32 s3, $0x2  }
0x26: {  	[tilespmem:s3+$0x16680] =	vst v3;
	s30 =	simm.s32 $0x0  }
0x27: {  	[tilespmem:s15], [sflag:$0x1] =	stream.indirect.gather [hbm4b:s0+s14], $0x80, s30, s14, $0xb8;
	[tilespmem:$0x19100] =	vst v63  }
0x28: {  	_ = 	snop  }
0x29: {  	[tilespmem:s16], [sflag:$0x1] =	stream.indirect.gather [hbm4b:s1+s14], $0x80, s4, s14, $0xb8;
	[tilespmem:$0x19100] =	vst v63  }
0x2a: {  	_ = 	snop  }
0x2b: {  	[tilespmem:s17], [sflag:$0x2] =	stream.indirect.gather [hbm4b:s0+s14], $0x80, s14, s14, $0xb8;
	[tilespmem:$0x19100] =	vst v63  }
0x2c: {  	s2 =	simm.s32 $0x27D0  }
0x2d: {  	[tilespmem:s19], [sflag:$0x2] =	stream.indirect.gather [hbm4b:s1+s14], $0x80, s2, s14, $0xb8;
	[tilespmem:$0x19100] =	vst v63  }
.LBB2_4:
0x2e: {  	s4 =	smul.u32 $0xF0, s30;
	_ =	sdelay $0x1  }
0x2f: {  	s31 =	sadd.s32 $0xA0, s4  }
0x30: {  	[tilespmem:s20], [sflag:$0x3] =	stream.indirect.gather [hbm4b:s0+s14], $0x80, s31, s14, $0xb8;
	[tilespmem:$0x19100] =	vst v63  }
0x31: {  	s2 =	sadd.s32 $0x2820, s4  }
0x32: {  	[tilespmem:s21], [sflag:$0x3] =	stream.indirect.gather [hbm4b:s1+s14], $0x80, s2, s14, $0xb8;
	[tilespmem:$0x19100] =	vst v63  }
0x33: {  	_ =	swait.ge [sflag:s22], $0x2800  }
0x34: {  	s28 =	smul.u32 $0x3C0, s30;
	[sflag:s22] =	ssyncset.done $0x0  }
0x35: {  	[sflag:s22] =	ssyncadd.s32 $0xFFFFD800  }
0x36: {  	s2 =	sshra.s32 s28, $0x2;
	_ =	swait.ge [sflag:s22], $0x2800  }
0x37: {  	s7 =	simm.s32 $0x4F40;
	s3 =	sadd.s32 $0x13F00, s2;
	[sflag:s22] =	ssyncset.done $0x0  }
0x38: {  	s6 =	simm.s32 $0x7740;
	s18 =	simm.s32 $0x0;
	v3 =	vmov s3;
	[sflag:s22] =	ssyncadd.s32 $0xFFFFD800  }
.LBB2_5:
0x39: {  	v4 =	vld [tilespmem:s6+$0xFFFFFFC0]  }
0x3a: {  	v5 =	vld [tilespmem:s7+$0xFFFFFFC0]  }
0x3b: {  	v6 =	vld [tilespmem:s7+$0xFFFFFFD0]  }
0x3c: {  	v7 =	vld [tilespmem:s6+$0xFFFFFFD0]  }
0x3d: {  	v8 =	vld [tilespmem:s7+$0xFFFFFFE0]  }
0x3e: {  	v9 =	vld [tilespmem:s6+$0xFFFFFFE0]  }
0x3f: {  	v10 =	vld [tilespmem:s7+$0xFFFFFFF0]  }
0x40: {  	v11 =	vld [tilespmem:s6+$0xFFFFFFF0]  }
0x41: {  	v12 =	vld [tilespmem:s7+$0x0]  }
0x42: {  	v13 =	vld [tilespmem:s6+$0x0]  }
0x43: {  	v14 =	vld [tilespmem:s7+$0x10]  }
0x44: {  	v15 =	vld [tilespmem:s6+$0x10]  }
0x45: {  	v16 =	vld [tilespmem:s7+$0x20]  }
0x46: {  	v17 =	vld [tilespmem:s6+$0x20]  }
0x47: {  	v18 =	vld [tilespmem:s7+$0x30];
	s26 =	sshll.u32 s18, $0x4;
	s28 =	simm.s32 $0x0  }
0x48: {  	v19 =	vld [tilespmem:s6+$0x30];
	s12 =	simm.s32 $0x1;
	s13 =	smov.u32 s6;
	s3 =	smov.u32 s7  }
.LBB2_6:
0x49: {  	p0 =	sne.s32 s12, $0xF  }
0x4a: {  	v4 =	vmul.f32 v4, v5;
	v5 =	vmul.f32 v7, v6  }
0x4b: {  	v6 =	vmul.f32 v9, v8;
	v7 =	vmul.f32 v11, v10  }
0x4c: {  	v8 =	vmul.f32 v13, v12;
	v9 =	vmul.f32 v15, v14  }
0x4d: {  	v10 =	vmul.f32 v17, v16;
	v11 =	vmul.f32 v19, v18  }
0x4e: {  	v4 =	vadd.f32 v5, v4;
	v5 =	vadd.f32 v7, v6  }
0x4f: {  	v6 =	vadd.f32 v9, v8;
	v7 =	vadd.f32 v11, v10  }
0x50: {  	v8 =	vor.u32 s28, v0;
	s28 =	smov.u32 s12  }
0x51: {  	v4 =	vadd.f32 v5, v4;
	v5 =	vadd.f32 v7, v6;
	_ =	sdelay $0x1  }
0x52: {  	v4 =	vadd.f32 v5, v4;
	_ =	sdelay $0x1  }
0x53: {  	s13 =	sadd.s32 $0x80, s13;
	[tilespmem:v8+s23+$0x0] =	vst.idx.msk $0xffff, v4  }
0x54: {  	s3 =	sadd.s32 $0x80, s3;
	v4 =	vld [tilespmem:s13+$0xFFFFFFC0]  }
0x55: {  	v5 =	vld [tilespmem:s3+$0xFFFFFFC0]  }
0x56: {  	v6 =	vld [tilespmem:s3+$0xFFFFFFD0]  }
0x57: {  	v7 =	vld [tilespmem:s13+$0xFFFFFFD0]  }
0x58: {  	v8 =	vld [tilespmem:s3+$0xFFFFFFE0]  }
0x59: {  	v9 =	vld [tilespmem:s13+$0xFFFFFFE0]  }
0x5a: {  	v10 =	vld [tilespmem:s3+$0xFFFFFFF0]  }
0x5b: {  	v11 =	vld [tilespmem:s13+$0xFFFFFFF0]  }
0x5c: {  	v12 =	vld [tilespmem:s3+$0x0]  }
0x5d: {  	v13 =	vld [tilespmem:s13+$0x0]  }
0x5e: {  	v14 =	vld [tilespmem:s3+$0x10]  }
.Ltmp1:
0x5f: {  	v15 =	vld [tilespmem:s13+$0x10];
	(pc) =	sbr.rel @p0 .LBB2_6-.Ltmp1, $4  }
0x60: {  	v16 =	vld [tilespmem:s3+$0x20]  }
0x61: {  	v17 =	vld [tilespmem:s13+$0x20]  }
0x62: {  	v18 =	vld [tilespmem:s3+$0x30]  }
0x63: {  	s12 =	sadd.s32 $0x1, s12;
	v19 =	vld [tilespmem:s13+$0x30]  }
0x64: {  	_ = 	snop  }
0x65: {  	v4 =	vmul.f32 v4, v5;
	v5 =	vmul.f32 v7, v6  }
0x66: {  	v45 =	vmul.f32 v9, v8;
	v46 =	vmul.f32 v11, v10  }
0x67: {  	v47 =	vmul.f32 v13, v12;
	v48 =	vmul.f32 v15, v14  }
0x68: {  	v49 =	vmul.f32 v17, v16;
	v50 =	vmul.f32 v19, v18  }
0x69: {  	v4 =	vadd.f32 v5, v4;
	v5 =	vadd.f32 v46, v45  }
0x6a: {  	v51 =	vadd.f32 v48, v47;
	v52 =	vadd.f32 v50, v49  }
0x6b: {  	v53 =	vor.u32 s28, v0  }
0x6c: {  	v4 =	vadd.f32 v5, v4;
	v5 =	vadd.f32 v52, v51;
	_ =	sdelay $0x1  }
0x6d: {  	v4 =	vadd.f32 v5, v4;
	_ =	sdelay $0x1  }
0x6e: {  	[tilespmem:v53+s23+$0x0] =	vst.idx.msk $0xffff, v4  }
0x6f: {  	v4 =	vld [tilespmem:$0x19000]  }
0x70: {  	v5 =	vld [tilespmem:$0x19010];
	_ =	sdelay $0x1  }
0x71: {  	v54 =	vld [tilespmem:$0x19020];
	_ =	sdelay $0x1  }
0x72: {  	v55 =	vld [tilespmem:$0x19030]  }
0x73: {  	v4 =	vadd.f32 v5, v4  }
0x74: {  	v5 =	vld [tilespmem:$0x19040]  }
0x75: {  	v4 =	vadd.f32 v54, v4  }
0x76: {  	v56 =	vld [tilespmem:$0x19050]  }
0x77: {  	v4 =	vadd.f32 v55, v4  }
0x78: {  	v57 =	vld [tilespmem:$0x19060]  }
0x79: {  	v4 =	vadd.f32 v5, v4  }
0x7a: {  	v5 =	vld [tilespmem:$0x19070]  }
0x7b: {  	v4 =	vadd.f32 v56, v4  }
0x7c: {  	v58 =	vld [tilespmem:$0x19080]  }
0x7d: {  	v4 =	vadd.f32 v57, v4  }
0x7e: {  	v59 =	vld [tilespmem:$0x19090]  }
0x7f: {  	v4 =	vadd.f32 v5, v4  }
0x80: {  	v5 =	vld [tilespmem:$0x190A0]  }
0x81: {  	v4 =	vadd.f32 v58, v4  }
0x82: {  	v60 =	vld [tilespmem:$0x190B0]  }
0x83: {  	v4 =	vadd.f32 v59, v4  }
0x84: {  	v61 =	vld [tilespmem:$0x190C0]  }
0x85: {  	v4 =	vadd.f32 v5, v4  }
0x86: {  	v5 =	vld [tilespmem:$0x190D0]  }
0x87: {  	v4 =	vadd.f32 v60, v4  }
0x88: {  	v62 =	vld [tilespmem:$0x190E0]  }
0x89: {  	v4 =	vadd.f32 v61, v4  }
0x8a: {  	v63 =	vld [tilespmem:$0x190F0]  }
0x8b: {  	v4 =	vadd.f32 v5, v4;
	_ =	sdelay $0x1  }
0x8c: {  	v4 =	vadd.f32 v62, v4;
	_ =	sdelay $0x1  }
0x8d: {  	s18 =	sadd.s32 $0x1, s18;
	v4 =	vadd.f32 v63, v4  }
0x8e: {  	p0 =	sne.s32 s18, $0x5  }
.Ltmp2:
0x8f: {  	v4 =	vmul.f32 v4, v1;
	(pc) =	sbr.rel @p0 .LBB2_5-.Ltmp2, $3  }
0x90: {  	_ = 	snop  }
0x91: {  	v4 =	vadd.f32 v4, v2;
	_ =	sdelay $0x1  }
0x92: {  	s7 =	sadd.s32 $0x800, s7;
	s6 =	sadd.s32 $0x800, s6;
	[tilespmem:v3+s26+$0x0 ss:$0x1] =	vst.idx.msk $0xffff, v4  }
0x93: {  	s3 =	sadd.s32 $0xF0, s4  }
0x94: {  	[tilespmem:s15], [sflag:$0x1] =	stream.indirect.gather [hbm4b:s0+s14], $0x80, s3, s14, $0xb8;
	[tilespmem:$0x19100] =	vst v63  }
0x95: {  	s28 =	sadd.s32 $0x2870, s4  }
0x96: {  	[tilespmem:s16], [sflag:$0x1] =	stream.indirect.gather [hbm4b:s1+s14], $0x80, s28, s14, $0xb8;
	[tilespmem:$0x19100] =	vst v63  }
0x97: {  	_ =	swait.ge [sflag:s24], $0x2800  }
0x98: {  	[sflag:s24] =	ssyncset.done $0x0  }
0x99: {  	[sflag:s24] =	ssyncadd.s32 $0xFFFFD800  }
0x9a: {  	_ =	swait.ge [sflag:s24], $0x2800  }
0x9b: {  	s6 =	sadd.s32 $0x13F50, s2;
	s2 =	simm.s32 $0x0;
	[sflag:s24] =	ssyncset.done $0x0  }
0x9c: {  	s13 =	simm.s32 $0xC740;
	s3 =	simm.s32 $0x9F40;
	v3 =	vmov s6;
	[sflag:s24] =	ssyncadd.s32 $0xFFFFD800  }
.LBB2_9:
0x9d: {  	v4 =	vld [tilespmem:s13+$0xFFFFFFC0]  }
0x9e: {  	v5 =	vld [tilespmem:s3+$0xFFFFFFC0]  }
0x9f: {  	v6 =	vld [tilespmem:s3+$0xFFFFFFD0]  }
0xa0: {  	v7 =	vld [tilespmem:s13+$0xFFFFFFD0]  }
0xa1: {  	v8 =	vld [tilespmem:s3+$0xFFFFFFE0]  }
0xa2: {  	v9 =	vld [tilespmem:s13+$0xFFFFFFE0]  }
0xa3: {  	v10 =	vld [tilespmem:s3+$0xFFFFFFF0]  }
0xa4: {  	v11 =	vld [tilespmem:s13+$0xFFFFFFF0]  }
0xa5: {  	v12 =	vld [tilespmem:s3+$0x0]  }
0xa6: {  	v13 =	vld [tilespmem:s13+$0x0]  }
0xa7: {  	v14 =	vld [tilespmem:s3+$0x10]  }
0xa8: {  	v15 =	vld [tilespmem:s13+$0x10]  }
0xa9: {  	v16 =	vld [tilespmem:s3+$0x20]  }
0xaa: {  	v17 =	vld [tilespmem:s13+$0x20]  }
0xab: {  	v18 =	vld [tilespmem:s3+$0x30];
	s18 =	sshll.u32 s2, $0x4;
	s28 =	simm.s32 $0x1  }
0xac: {  	v19 =	vld [tilespmem:s13+$0x30];
	s26 =	simm.s32 $0x0;
	s6 =	smov.u32 s13;
	s7 =	smov.u32 s3  }
.LBB2_10:
0xad: {  	p0 =	sne.s32 s28, $0xF  }
0xae: {  	v4 =	vmul.f32 v4, v5;
	v5 =	vmul.f32 v7, v6  }
0xaf: {  	v6 =	vmul.f32 v9, v8;
	v7 =	vmul.f32 v11, v10  }
0xb0: {  	v8 =	vmul.f32 v13, v12;
	v9 =	vmul.f32 v15, v14  }
0xb1: {  	v10 =	vmul.f32 v17, v16;
	v11 =	vmul.f32 v19, v18  }
0xb2: {  	v4 =	vadd.f32 v5, v4;
	v5 =	vadd.f32 v7, v6  }
0xb3: {  	v6 =	vadd.f32 v9, v8;
	v7 =	vadd.f32 v11, v10  }
0xb4: {  	v8 =	vor.u32 s26, v0;
	s26 =	smov.u32 s28  }
0xb5: {  	v4 =	vadd.f32 v5, v4;
	v5 =	vadd.f32 v7, v6;
	_ =	sdelay $0x1  }
0xb6: {  	v4 =	vadd.f32 v5, v4;
	_ =	sdelay $0x1  }
0xb7: {  	s6 =	sadd.s32 $0x80, s6;
	[tilespmem:v8+s23+$0x0] =	vst.idx.msk $0xffff, v4  }
0xb8: {  	s7 =	sadd.s32 $0x80, s7;
	v4 =	vld [tilespmem:s6+$0xFFFFFFC0]  }
0xb9: {  	v5 =	vld [tilespmem:s7+$0xFFFFFFC0]  }
0xba: {  	v6 =	vld [tilespmem:s7+$0xFFFFFFD0]  }
0xbb: {  	v7 =	vld [tilespmem:s6+$0xFFFFFFD0]  }
0xbc: {  	v8 =	vld [tilespmem:s7+$0xFFFFFFE0]  }
0xbd: {  	v9 =	vld [tilespmem:s6+$0xFFFFFFE0]  }
0xbe: {  	v10 =	vld [tilespmem:s7+$0xFFFFFFF0]  }
0xbf: {  	v11 =	vld [tilespmem:s6+$0xFFFFFFF0]  }
0xc0: {  	v12 =	vld [tilespmem:s7+$0x0]  }
0xc1: {  	v13 =	vld [tilespmem:s6+$0x0]  }
0xc2: {  	v14 =	vld [tilespmem:s7+$0x10]  }
.Ltmp3:
0xc3: {  	v15 =	vld [tilespmem:s6+$0x10];
	(pc) =	sbr.rel @p0 .LBB2_10-.Ltmp3, $4  }
0xc4: {  	v16 =	vld [tilespmem:s7+$0x20]  }
0xc5: {  	v17 =	vld [tilespmem:s6+$0x20]  }
0xc6: {  	v18 =	vld [tilespmem:s7+$0x30]  }
0xc7: {  	s28 =	sadd.s32 $0x1, s28;
	v19 =	vld [tilespmem:s6+$0x30]  }
0xc8: {  	_ = 	snop  }
0xc9: {  	v4 =	vmul.f32 v4, v5;
	v5 =	vmul.f32 v7, v6  }
0xca: {  	v45 =	vmul.f32 v9, v8;
	v46 =	vmul.f32 v11, v10  }
0xcb: {  	v47 =	vmul.f32 v13, v12;
	v48 =	vmul.f32 v15, v14  }
0xcc: {  	v49 =	vmul.f32 v17, v16;
	v50 =	vmul.f32 v19, v18  }
0xcd: {  	v4 =	vadd.f32 v5, v4;
	v5 =	vadd.f32 v46, v45  }
0xce: {  	v51 =	vadd.f32 v48, v47;
	v52 =	vadd.f32 v50, v49  }
0xcf: {  	v53 =	vor.u32 s26, v0  }
0xd0: {  	v4 =	vadd.f32 v5, v4;
	v5 =	vadd.f32 v52, v51;
	_ =	sdelay $0x1  }
0xd1: {  	v4 =	vadd.f32 v5, v4;
	_ =	sdelay $0x1  }
0xd2: {  	[tilespmem:v53+s23+$0x0] =	vst.idx.msk $0xffff, v4  }
0xd3: {  	v4 =	vld [tilespmem:$0x19000]  }
0xd4: {  	v5 =	vld [tilespmem:$0x19010];
	_ =	sdelay $0x1  }
0xd5: {  	v54 =	vld [tilespmem:$0x19020];
	_ =	sdelay $0x1  }
0xd6: {  	v55 =	vld [tilespmem:$0x19030]  }
0xd7: {  	v4 =	vadd.f32 v5, v4  }
0xd8: {  	v5 =	vld [tilespmem:$0x19040]  }
0xd9: {  	v4 =	vadd.f32 v54, v4  }
0xda: {  	v56 =	vld [tilespmem:$0x19050]  }
0xdb: {  	v4 =	vadd.f32 v55, v4  }
0xdc: {  	v57 =	vld [tilespmem:$0x19060]  }
0xdd: {  	v4 =	vadd.f32 v5, v4  }
0xde: {  	v5 =	vld [tilespmem:$0x19070]  }
0xdf: {  	v4 =	vadd.f32 v56, v4  }
0xe0: {  	v58 =	vld [tilespmem:$0x19080]  }
0xe1: {  	v4 =	vadd.f32 v57, v4  }
0xe2: {  	v59 =	vld [tilespmem:$0x19090]  }
0xe3: {  	v4 =	vadd.f32 v5, v4  }
0xe4: {  	v5 =	vld [tilespmem:$0x190A0]  }
0xe5: {  	v4 =	vadd.f32 v58, v4  }
0xe6: {  	v60 =	vld [tilespmem:$0x190B0]  }
0xe7: {  	v4 =	vadd.f32 v59, v4  }
0xe8: {  	v61 =	vld [tilespmem:$0x190C0]  }
0xe9: {  	v4 =	vadd.f32 v5, v4  }
0xea: {  	v5 =	vld [tilespmem:$0x190D0]  }
0xeb: {  	v4 =	vadd.f32 v60, v4  }
0xec: {  	v62 =	vld [tilespmem:$0x190E0]  }
0xed: {  	v4 =	vadd.f32 v61, v4  }
0xee: {  	v63 =	vld [tilespmem:$0x190F0]  }
0xef: {  	v4 =	vadd.f32 v5, v4;
	_ =	sdelay $0x1  }
0xf0: {  	v4 =	vadd.f32 v62, v4;
	_ =	sdelay $0x1  }
0xf1: {  	s2 =	sadd.s32 $0x1, s2;
	v4 =	vadd.f32 v63, v4  }
0xf2: {  	p0 =	sne.s32 s2, $0x5  }
.Ltmp4:
0xf3: {  	v4 =	vmul.f32 v4, v1;
	(pc) =	sbr.rel @p0 .LBB2_9-.Ltmp4, $3  }
0xf4: {  	_ = 	snop  }
0xf5: {  	v4 =	vadd.f32 v4, v2;
	_ =	sdelay $0x1  }
0xf6: {  	s3 =	sadd.s32 $0x800, s3;
	s13 =	sadd.s32 $0x800, s13;
	[tilespmem:v3+s18+$0x0 ss:$0x1] =	vst.idx.msk $0xffff, v4  }
0xf7: {  	s2 =	sadd.s32 $0x140, s4  }
0xf8: {  	[tilespmem:s17], [sflag:$0x2] =	stream.indirect.gather [hbm4b:s0+s14], $0x80, s2, s14, $0xb8;
	[tilespmem:$0x19100] =	vst v63  }
0xf9: {  	s28 =	sadd.s32 $0x28C0, s4  }
0xfa: {  	[tilespmem:s19], [sflag:$0x2] =	stream.indirect.gather [hbm4b:s1+s14], $0x80, s28, s14, $0xb8;
	[tilespmem:$0x19100] =	vst v63  }
0xfb: {  	_ =	swait.ge [sflag:s25], $0x2800  }
0xfc: {  	[sflag:s25] =	ssyncset.done $0x0  }
0xfd: {  	[sflag:s25] =	ssyncadd.s32 $0xFFFFD800  }
0xfe: {  	_ =	swait.ge [sflag:s25], $0x2800  }
0xff: {  	s6 =	sadd.s32 $0x13F00, s31;
	s3 =	simm.s32 $0xEF40;
	[sflag:s25] =	ssyncset.done $0x0  }
0x100: {  	s4 =	simm.s32 $0x11740;
	s2 =	simm.s32 $0x0;
	v3 =	vmov s6;
	[sflag:s25] =	ssyncadd.s32 $0xFFFFD800  }
.LBB2_13:
0x101: {  	v4 =	vld [tilespmem:s4+$0xFFFFFFC0]  }
0x102: {  	v5 =	vld [tilespmem:s3+$0xFFFFFFC0]  }
0x103: {  	v6 =	vld [tilespmem:s3+$0xFFFFFFD0]  }
0x104: {  	v7 =	vld [tilespmem:s4+$0xFFFFFFD0]  }
0x105: {  	v8 =	vld [tilespmem:s3+$0xFFFFFFE0]  }
0x106: {  	v9 =	vld [tilespmem:s4+$0xFFFFFFE0]  }
0x107: {  	v10 =	vld [tilespmem:s3+$0xFFFFFFF0]  }
0x108: {  	v11 =	vld [tilespmem:s4+$0xFFFFFFF0]  }
0x109: {  	v12 =	vld [tilespmem:s3+$0x0]  }
0x10a: {  	v13 =	vld [tilespmem:s4+$0x0]  }
0x10b: {  	v14 =	vld [tilespmem:s3+$0x10]  }
0x10c: {  	v15 =	vld [tilespmem:s4+$0x10]  }
0x10d: {  	v16 =	vld [tilespmem:s3+$0x20]  }
0x10e: {  	v17 =	vld [tilespmem:s4+$0x20]  }
0x10f: {  	v18 =	vld [tilespmem:s3+$0x30];
	s13 =	sshll.u32 s2, $0x4;
	s26 =	simm.s32 $0x1  }
0x110: {  	v19 =	vld [tilespmem:s4+$0x30];
	s18 =	simm.s32 $0x0;
	s6 =	smov.u32 s4;
	s7 =	smov.u32 s3  }
.LBB2_14:
0x111: {  	p0 =	sne.s32 s26, $0xF  }
0x112: {  	v4 =	vmul.f32 v4, v5;
	v5 =	vmul.f32 v7, v6  }
0x113: {  	v6 =	vmul.f32 v9, v8;
	v7 =	vmul.f32 v11, v10  }
0x114: {  	v8 =	vmul.f32 v13, v12;
	v9 =	vmul.f32 v15, v14  }
0x115: {  	v10 =	vmul.f32 v17, v16;
	v11 =	vmul.f32 v19, v18  }
0x116: {  	v4 =	vadd.f32 v5, v4;
	v5 =	vadd.f32 v7, v6  }
0x117: {  	v6 =	vadd.f32 v9, v8;
	v7 =	vadd.f32 v11, v10  }
0x118: {  	v8 =	vor.u32 s18, v0;
	s18 =	smov.u32 s26  }
0x119: {  	v4 =	vadd.f32 v5, v4;
	v5 =	vadd.f32 v7, v6;
	_ =	sdelay $0x1  }
0x11a: {  	v4 =	vadd.f32 v5, v4;
	_ =	sdelay $0x1  }
0x11b: {  	s6 =	sadd.s32 $0x80, s6;
	[tilespmem:v8+s23+$0x0] =	vst.idx.msk $0xffff, v4  }
0x11c: {  	s7 =	sadd.s32 $0x80, s7;
	v4 =	vld [tilespmem:s6+$0xFFFFFFC0]  }
0x11d: {  	v5 =	vld [tilespmem:s7+$0xFFFFFFC0]  }
0x11e: {  	v6 =	vld [tilespmem:s7+$0xFFFFFFD0]  }
0x11f: {  	v7 =	vld [tilespmem:s6+$0xFFFFFFD0]  }
0x120: {  	v8 =	vld [tilespmem:s7+$0xFFFFFFE0]  }
0x121: {  	v9 =	vld [tilespmem:s6+$0xFFFFFFE0]  }
0x122: {  	v10 =	vld [tilespmem:s7+$0xFFFFFFF0]  }
0x123: {  	v11 =	vld [tilespmem:s6+$0xFFFFFFF0]  }
0x124: {  	v12 =	vld [tilespmem:s7+$0x0]  }
0x125: {  	v13 =	vld [tilespmem:s6+$0x0]  }
0x126: {  	v14 =	vld [tilespmem:s7+$0x10]  }
.Ltmp5:
0x127: {  	v15 =	vld [tilespmem:s6+$0x10];
	(pc) =	sbr.rel @p0 .LBB2_14-.Ltmp5, $4  }
0x128: {  	v16 =	vld [tilespmem:s7+$0x20]  }
0x129: {  	v17 =	vld [tilespmem:s6+$0x20]  }
0x12a: {  	v18 =	vld [tilespmem:s7+$0x30]  }
0x12b: {  	s26 =	sadd.s32 $0x1, s26;
	v19 =	vld [tilespmem:s6+$0x30]  }
0x12c: {  	_ = 	snop  }
0x12d: {  	v4 =	vmul.f32 v4, v5;
	v5 =	vmul.f32 v7, v6  }
0x12e: {  	v45 =	vmul.f32 v9, v8;
	v46 =	vmul.f32 v11, v10  }
0x12f: {  	v47 =	vmul.f32 v13, v12;
	v48 =	vmul.f32 v15, v14  }
0x130: {  	v49 =	vmul.f32 v17, v16;
	v50 =	vmul.f32 v19, v18  }
0x131: {  	v4 =	vadd.f32 v5, v4;
	v5 =	vadd.f32 v46, v45  }
0x132: {  	v51 =	vadd.f32 v48, v47;
	v52 =	vadd.f32 v50, v49  }
0x133: {  	v53 =	vor.u32 s18, v0  }
0x134: {  	v4 =	vadd.f32 v5, v4;
	v5 =	vadd.f32 v52, v51;
	_ =	sdelay $0x1  }
0x135: {  	v4 =	vadd.f32 v5, v4;
	_ =	sdelay $0x1  }
0x136: {  	[tilespmem:v53+s23+$0x0] =	vst.idx.msk $0xffff, v4  }
0x137: {  	v4 =	vld [tilespmem:$0x19000]  }
0x138: {  	v5 =	vld [tilespmem:$0x19010];
	_ =	sdelay $0x1  }
0x139: {  	v54 =	vld [tilespmem:$0x19020];
	_ =	sdelay $0x1  }
0x13a: {  	v55 =	vld [tilespmem:$0x19030]  }
0x13b: {  	v4 =	vadd.f32 v5, v4  }
0x13c: {  	v5 =	vld [tilespmem:$0x19040]  }
0x13d: {  	v4 =	vadd.f32 v54, v4  }
0x13e: {  	v56 =	vld [tilespmem:$0x19050]  }
0x13f: {  	v4 =	vadd.f32 v55, v4  }
0x140: {  	v57 =	vld [tilespmem:$0x19060]  }
0x141: {  	v4 =	vadd.f32 v5, v4  }
0x142: {  	v5 =	vld [tilespmem:$0x19070]  }
0x143: {  	v4 =	vadd.f32 v56, v4  }
0x144: {  	v58 =	vld [tilespmem:$0x19080]  }
0x145: {  	v4 =	vadd.f32 v57, v4  }
0x146: {  	v59 =	vld [tilespmem:$0x19090]  }
0x147: {  	v4 =	vadd.f32 v5, v4  }
0x148: {  	v5 =	vld [tilespmem:$0x190A0]  }
0x149: {  	v4 =	vadd.f32 v58, v4  }
0x14a: {  	v60 =	vld [tilespmem:$0x190B0]  }
0x14b: {  	v4 =	vadd.f32 v59, v4  }
0x14c: {  	v61 =	vld [tilespmem:$0x190C0]  }
0x14d: {  	v4 =	vadd.f32 v5, v4  }
0x14e: {  	v5 =	vld [tilespmem:$0x190D0]  }
0x14f: {  	v4 =	vadd.f32 v60, v4  }
0x150: {  	v62 =	vld [tilespmem:$0x190E0]  }
0x151: {  	v4 =	vadd.f32 v61, v4  }
0x152: {  	v63 =	vld [tilespmem:$0x190F0]  }
0x153: {  	v4 =	vadd.f32 v5, v4;
	_ =	sdelay $0x1  }
0x154: {  	v4 =	vadd.f32 v62, v4;
	_ =	sdelay $0x1  }
0x155: {  	s2 =	sadd.s32 $0x1, s2;
	v4 =	vadd.f32 v63, v4  }
0x156: {  	p0 =	sne.s32 s2, $0x5  }
.Ltmp6:
0x157: {  	v4 =	vmul.f32 v4, v1;
	(pc) =	sbr.rel @p0 .LBB2_13-.Ltmp6, $3  }
0x158: {  	_ = 	snop  }
0x159: {  	v4 =	vadd.f32 v4, v2;
	_ =	sdelay $0x1  }
0x15a: {  	s3 =	sadd.s32 $0x800, s3;
	s4 =	sadd.s32 $0x800, s4;
	[tilespmem:v3+s13+$0x0 ss:$0x1] =	vst.idx.msk $0xffff, v4  }
0x15b: {  	s30 =	sadd.s32 $0x1, s30  }
0x15c: {  	p0 =	sne.s32 s30, $0x29  }
.Ltmp7:
0x15d: {  	_ = 	snop;
	(pc) =	sbr.rel @p0 .LBB2_4-.Ltmp7, $1  }
0x15e: {  	_ =	sdelay $0x3  }
0x15f: {  	_ =	swait.ge [sflag:s22], $0x2800  }
0x160: {  	[sflag:s22] =	ssyncset.done $0x0  }
0x161: {  	[sflag:s22] =	ssyncadd.s32 $0xFFFFD800  }
0x162: {  	_ =	swait.ge [sflag:s22], $0x2800  }
0x163: {  	s2 =	simm.s32 $0x0;
	[sflag:s22] =	ssyncset.done $0x0  }
0x164: {  	s3 =	simm.s32 $0x4F40;
	s4 =	simm.s32 $0x7740;
	[sflag:s22] =	ssyncadd.s32 $0xFFFFD800  }
.LBB2_18:
0x165: {  	v3 =	vld [tilespmem:s4+$0xFFFFFFC0]  }
0x166: {  	v4 =	vld [tilespmem:s3+$0xFFFFFFC0]  }
0x167: {  	v5 =	vld [tilespmem:s3+$0xFFFFFFD0]  }
0x168: {  	v6 =	vld [tilespmem:s4+$0xFFFFFFD0]  }
0x169: {  	v7 =	vld [tilespmem:s3+$0xFFFFFFE0]  }
0x16a: {  	v8 =	vld [tilespmem:s4+$0xFFFFFFE0]  }
0x16b: {  	v9 =	vld [tilespmem:s3+$0xFFFFFFF0]  }
0x16c: {  	v10 =	vld [tilespmem:s4+$0xFFFFFFF0]  }
0x16d: {  	v11 =	vld [tilespmem:s3+$0x0]  }
0x16e: {  	v12 =	vld [tilespmem:s4+$0x0]  }
0x16f: {  	v13 =	vld [tilespmem:s3+$0x10]  }
0x170: {  	v14 =	vld [tilespmem:s4+$0x10]  }
0x171: {  	v15 =	vld [tilespmem:s3+$0x20]  }
0x172: {  	v16 =	vld [tilespmem:s4+$0x20]  }
0x173: {  	v17 =	vld [tilespmem:s3+$0x30];
	s13 =	sshll.u32 s2, $0x4;
	s26 =	simm.s32 $0x1  }
0x174: {  	v18 =	vld [tilespmem:s4+$0x30];
	s18 =	simm.s32 $0x0;
	s6 =	smov.u32 s4;
	s7 =	smov.u32 s3  }
.LBB2_19:
0x175: {  	p0 =	sne.s32 s26, $0xF  }
0x176: {  	v3 =	vmul.f32 v3, v4;
	v4 =	vmul.f32 v6, v5  }
0x177: {  	v5 =	vmul.f32 v8, v7;
	v6 =	vmul.f32 v10, v9  }
0x178: {  	v7 =	vmul.f32 v12, v11;
	v8 =	vmul.f32 v14, v13  }
0x179: {  	v9 =	vmul.f32 v16, v15;
	v10 =	vmul.f32 v18, v17  }
0x17a: {  	v3 =	vadd.f32 v4, v3;
	v4 =	vadd.f32 v6, v5  }
0x17b: {  	v5 =	vadd.f32 v8, v7;
	v6 =	vadd.f32 v10, v9  }
0x17c: {  	v7 =	vor.u32 s18, v0;
	s18 =	smov.u32 s26  }
0x17d: {  	v3 =	vadd.f32 v4, v3;
	v4 =	vadd.f32 v6, v5;
	_ =	sdelay $0x1  }
0x17e: {  	v3 =	vadd.f32 v4, v3;
	_ =	sdelay $0x1  }
0x17f: {  	s6 =	sadd.s32 $0x80, s6;
	[tilespmem:v7+s23+$0x0] =	vst.idx.msk $0xffff, v3  }
0x180: {  	s7 =	sadd.s32 $0x80, s7;
	v3 =	vld [tilespmem:s6+$0xFFFFFFC0]  }
0x181: {  	v4 =	vld [tilespmem:s7+$0xFFFFFFC0]  }
0x182: {  	v5 =	vld [tilespmem:s7+$0xFFFFFFD0]  }
0x183: {  	v6 =	vld [tilespmem:s6+$0xFFFFFFD0]  }
0x184: {  	v7 =	vld [tilespmem:s7+$0xFFFFFFE0]  }
0x185: {  	v8 =	vld [tilespmem:s6+$0xFFFFFFE0]  }
0x186: {  	v9 =	vld [tilespmem:s7+$0xFFFFFFF0]  }
0x187: {  	v10 =	vld [tilespmem:s6+$0xFFFFFFF0]  }
0x188: {  	v11 =	vld [tilespmem:s7+$0x0]  }
0x189: {  	v12 =	vld [tilespmem:s6+$0x0]  }
0x18a: {  	v13 =	vld [tilespmem:s7+$0x10]  }
.Ltmp8:
0x18b: {  	v14 =	vld [tilespmem:s6+$0x10];
	(pc) =	sbr.rel @p0 .LBB2_19-.Ltmp8, $4  }
0x18c: {  	v15 =	vld [tilespmem:s7+$0x20]  }
0x18d: {  	v16 =	vld [tilespmem:s6+$0x20]  }
0x18e: {  	v17 =	vld [tilespmem:s7+$0x30]  }
0x18f: {  	s26 =	sadd.s32 $0x1, s26;
	v18 =	vld [tilespmem:s6+$0x30]  }
0x190: {  	_ = 	snop  }
0x191: {  	v3 =	vmul.f32 v3, v4;
	v37 =	vmul.f32 v6, v5  }
0x192: {  	v38 =	vmul.f32 v8, v7;
	v39 =	vmul.f32 v10, v9  }
0x193: {  	v40 =	vmul.f32 v12, v11;
	v41 =	vmul.f32 v14, v13  }
0x194: {  	v42 =	vmul.f32 v16, v15;
	v43 =	vmul.f32 v18, v17  }
0x195: {  	v3 =	vadd.f32 v37, v3;
	v44 =	vadd.f32 v39, v38  }
0x196: {  	v45 =	vadd.f32 v41, v40;
	v46 =	vadd.f32 v43, v42  }
0x197: {  	v47 =	vor.u32 s18, v0  }
0x198: {  	v3 =	vadd.f32 v44, v3;
	v48 =	vadd.f32 v46, v45;
	_ =	sdelay $0x1  }
0x199: {  	v3 =	vadd.f32 v48, v3;
	_ =	sdelay $0x1  }
0x19a: {  	[tilespmem:v47+s23+$0x0] =	vst.idx.msk $0xffff, v3  }
0x19b: {  	v3 =	vld [tilespmem:$0x19000]  }
0x19c: {  	v49 =	vld [tilespmem:$0x19010];
	_ =	sdelay $0x1  }
0x19d: {  	v50 =	vld [tilespmem:$0x19020];
	_ =	sdelay $0x1  }
0x19e: {  	v51 =	vld [tilespmem:$0x19030]  }
0x19f: {  	v3 =	vadd.f32 v49, v3  }
0x1a0: {  	v52 =	vld [tilespmem:$0x19040]  }
0x1a1: {  	v3 =	vadd.f32 v50, v3  }
0x1a2: {  	v53 =	vld [tilespmem:$0x19050]  }
0x1a3: {  	v3 =	vadd.f32 v51, v3  }
0x1a4: {  	v54 =	vld [tilespmem:$0x19060]  }
0x1a5: {  	v3 =	vadd.f32 v52, v3  }
0x1a6: {  	v55 =	vld [tilespmem:$0x19070]  }
0x1a7: {  	v3 =	vadd.f32 v53, v3  }
0x1a8: {  	v56 =	vld [tilespmem:$0x19080]  }
0x1a9: {  	v3 =	vadd.f32 v54, v3  }
0x1aa: {  	v57 =	vld [tilespmem:$0x19090]  }
0x1ab: {  	v3 =	vadd.f32 v55, v3  }
0x1ac: {  	v58 =	vld [tilespmem:$0x190A0]  }
0x1ad: {  	v3 =	vadd.f32 v56, v3  }
0x1ae: {  	v59 =	vld [tilespmem:$0x190B0]  }
0x1af: {  	v3 =	vadd.f32 v57, v3  }
0x1b0: {  	v60 =	vld [tilespmem:$0x190C0]  }
0x1b1: {  	v3 =	vadd.f32 v58, v3  }
0x1b2: {  	v61 =	vld [tilespmem:$0x190D0]  }
0x1b3: {  	v3 =	vadd.f32 v59, v3  }
0x1b4: {  	v62 =	vld [tilespmem:$0x190E0]  }
0x1b5: {  	v3 =	vadd.f32 v60, v3  }
0x1b6: {  	v63 =	vld [tilespmem:$0x190F0]  }
0x1b7: {  	v3 =	vadd.f32 v61, v3;
	_ =	sdelay $0x1  }
0x1b8: {  	v3 =	vadd.f32 v62, v3;
	_ =	sdelay $0x1  }
0x1b9: {  	s2 =	sadd.s32 $0x1, s2;
	v3 =	vadd.f32 v63, v3  }
0x1ba: {  	p0 =	sne.s32 s2, $0x5  }
.Ltmp9:
0x1bb: {  	v3 =	vmul.f32 v3, v1;
	(pc) =	sbr.rel @p0 .LBB2_18-.Ltmp9, $3  }
0x1bc: {  	_ = 	snop  }
0x1bd: {  	v3 =	vadd.f32 v3, v2;
	_ =	sdelay $0x1  }
0x1be: {  	s3 =	sadd.s32 $0x800, s3;
	s4 =	sadd.s32 $0x800, s4;
	[tilespmem:s13+$0x16570] =	vst v3  }
0x1bf: {  	_ =	swait.ge [sflag:s24], $0x2800  }
0x1c0: {  	[sflag:s24] =	ssyncset.done $0x0  }
0x1c1: {  	[sflag:s24] =	ssyncadd.s32 $0xFFFFD800  }
0x1c2: {  	_ =	swait.ge [sflag:s24], $0x2800  }
0x1c3: {  	s2 =	simm.s32 $0x0;
	[sflag:s24] =	ssyncset.done $0x0  }
0x1c4: {  	s3 =	simm.s32 $0x9F40;
	s4 =	simm.s32 $0xC740;
	[sflag:s24] =	ssyncadd.s32 $0xFFFFD800  }
.LBB2_22:
0x1c5: {  	v3 =	vld [tilespmem:s4+$0xFFFFFFC0]  }
0x1c6: {  	v4 =	vld [tilespmem:s3+$0xFFFFFFC0]  }
0x1c7: {  	v5 =	vld [tilespmem:s3+$0xFFFFFFD0]  }
0x1c8: {  	v6 =	vld [tilespmem:s4+$0xFFFFFFD0]  }
0x1c9: {  	v7 =	vld [tilespmem:s3+$0xFFFFFFE0]  }
0x1ca: {  	v8 =	vld [tilespmem:s4+$0xFFFFFFE0]  }
0x1cb: {  	v9 =	vld [tilespmem:s3+$0xFFFFFFF0]  }
0x1cc: {  	v10 =	vld [tilespmem:s4+$0xFFFFFFF0]  }
0x1cd: {  	v11 =	vld [tilespmem:s3+$0x0]  }
0x1ce: {  	v12 =	vld [tilespmem:s4+$0x0]  }
0x1cf: {  	v13 =	vld [tilespmem:s3+$0x10]  }
0x1d0: {  	v14 =	vld [tilespmem:s4+$0x10]  }
0x1d1: {  	v15 =	vld [tilespmem:s3+$0x20]  }
0x1d2: {  	v16 =	vld [tilespmem:s4+$0x20]  }
0x1d3: {  	v17 =	vld [tilespmem:s3+$0x30];
	s13 =	sshll.u32 s2, $0x4;
	s26 =	simm.s32 $0x1  }
0x1d4: {  	v18 =	vld [tilespmem:s4+$0x30];
	s18 =	simm.s32 $0x0;
	s6 =	smov.u32 s4;
	s7 =	smov.u32 s3  }
.LBB2_23:
0x1d5: {  	p0 =	sne.s32 s26, $0xF  }
0x1d6: {  	v3 =	vmul.f32 v3, v4;
	v4 =	vmul.f32 v6, v5  }
0x1d7: {  	v5 =	vmul.f32 v8, v7;
	v6 =	vmul.f32 v10, v9  }
0x1d8: {  	v7 =	vmul.f32 v12, v11;
	v8 =	vmul.f32 v14, v13  }
0x1d9: {  	v9 =	vmul.f32 v16, v15;
	v10 =	vmul.f32 v18, v17  }
0x1da: {  	v3 =	vadd.f32 v4, v3;
	v4 =	vadd.f32 v6, v5  }
0x1db: {  	v5 =	vadd.f32 v8, v7;
	v6 =	vadd.f32 v10, v9  }
0x1dc: {  	v7 =	vor.u32 s18, v0;
	s18 =	smov.u32 s26  }
0x1dd: {  	v3 =	vadd.f32 v4, v3;
	v4 =	vadd.f32 v6, v5;
	_ =	sdelay $0x1  }
0x1de: {  	v3 =	vadd.f32 v4, v3;
	_ =	sdelay $0x1  }
0x1df: {  	s6 =	sadd.s32 $0x80, s6;
	[tilespmem:v7+s23+$0x0] =	vst.idx.msk $0xffff, v3  }
0x1e0: {  	s7 =	sadd.s32 $0x80, s7;
	v3 =	vld [tilespmem:s6+$0xFFFFFFC0]  }
0x1e1: {  	v4 =	vld [tilespmem:s7+$0xFFFFFFC0]  }
0x1e2: {  	v5 =	vld [tilespmem:s7+$0xFFFFFFD0]  }
0x1e3: {  	v6 =	vld [tilespmem:s6+$0xFFFFFFD0]  }
0x1e4: {  	v7 =	vld [tilespmem:s7+$0xFFFFFFE0]  }
0x1e5: {  	v8 =	vld [tilespmem:s6+$0xFFFFFFE0]  }
0x1e6: {  	v9 =	vld [tilespmem:s7+$0xFFFFFFF0]  }
0x1e7: {  	v10 =	vld [tilespmem:s6+$0xFFFFFFF0]  }
0x1e8: {  	v11 =	vld [tilespmem:s7+$0x0]  }
0x1e9: {  	v12 =	vld [tilespmem:s6+$0x0]  }
0x1ea: {  	v13 =	vld [tilespmem:s7+$0x10]  }
.Ltmp10:
0x1eb: {  	v14 =	vld [tilespmem:s6+$0x10];
	(pc) =	sbr.rel @p0 .LBB2_23-.Ltmp10, $4  }
0x1ec: {  	v15 =	vld [tilespmem:s7+$0x20]  }
0x1ed: {  	v16 =	vld [tilespmem:s6+$0x20]  }
0x1ee: {  	v17 =	vld [tilespmem:s7+$0x30]  }
0x1ef: {  	s26 =	sadd.s32 $0x1, s26;
	v18 =	vld [tilespmem:s6+$0x30]  }
0x1f0: {  	_ = 	snop  }
0x1f1: {  	v3 =	vmul.f32 v3, v4;
	v37 =	vmul.f32 v6, v5  }
0x1f2: {  	v38 =	vmul.f32 v8, v7;
	v39 =	vmul.f32 v10, v9  }
0x1f3: {  	v40 =	vmul.f32 v12, v11;
	v41 =	vmul.f32 v14, v13  }
0x1f4: {  	v42 =	vmul.f32 v16, v15;
	v43 =	vmul.f32 v18, v17  }
0x1f5: {  	v3 =	vadd.f32 v37, v3;
	v44 =	vadd.f32 v39, v38  }
0x1f6: {  	v45 =	vadd.f32 v41, v40;
	v46 =	vadd.f32 v43, v42  }
0x1f7: {  	v47 =	vor.u32 s18, v0  }
0x1f8: {  	v3 =	vadd.f32 v44, v3;
	v48 =	vadd.f32 v46, v45;
	_ =	sdelay $0x1  }
0x1f9: {  	v3 =	vadd.f32 v48, v3;
	_ =	sdelay $0x1  }
0x1fa: {  	[tilespmem:v47+s23+$0x0] =	vst.idx.msk $0xffff, v3  }
0x1fb: {  	v3 =	vld [tilespmem:$0x19000]  }
0x1fc: {  	v49 =	vld [tilespmem:$0x19010];
	_ =	sdelay $0x1  }
0x1fd: {  	v50 =	vld [tilespmem:$0x19020];
	_ =	sdelay $0x1  }
0x1fe: {  	v51 =	vld [tilespmem:$0x19030]  }
0x1ff: {  	v3 =	vadd.f32 v49, v3  }
0x200: {  	v52 =	vld [tilespmem:$0x19040]  }
0x201: {  	v3 =	vadd.f32 v50, v3  }
0x202: {  	v53 =	vld [tilespmem:$0x19050]  }
0x203: {  	v3 =	vadd.f32 v51, v3  }
0x204: {  	v54 =	vld [tilespmem:$0x19060]  }
0x205: {  	v3 =	vadd.f32 v52, v3  }
0x206: {  	v55 =	vld [tilespmem:$0x19070]  }
0x207: {  	v3 =	vadd.f32 v53, v3  }
0x208: {  	v56 =	vld [tilespmem:$0x19080]  }
0x209: {  	v3 =	vadd.f32 v54, v3  }
0x20a: {  	v57 =	vld [tilespmem:$0x19090]  }
0x20b: {  	v3 =	vadd.f32 v55, v3  }
0x20c: {  	v58 =	vld [tilespmem:$0x190A0]  }
0x20d: {  	v3 =	vadd.f32 v56, v3  }
0x20e: {  	v59 =	vld [tilespmem:$0x190B0]  }
0x20f: {  	v3 =	vadd.f32 v57, v3  }
0x210: {  	v60 =	vld [tilespmem:$0x190C0]  }
0x211: {  	v3 =	vadd.f32 v58, v3  }
0x212: {  	v61 =	vld [tilespmem:$0x190D0]  }
0x213: {  	v3 =	vadd.f32 v59, v3  }
0x214: {  	v62 =	vld [tilespmem:$0x190E0]  }
0x215: {  	v3 =	vadd.f32 v60, v3  }
0x216: {  	v63 =	vld [tilespmem:$0x190F0]  }
0x217: {  	v3 =	vadd.f32 v61, v3;
	_ =	sdelay $0x1  }
0x218: {  	v3 =	vadd.f32 v62, v3;
	_ =	sdelay $0x1  }
0x219: {  	s2 =	sadd.s32 $0x1, s2;
	v3 =	vadd.f32 v63, v3  }
0x21a: {  	p0 =	sne.s32 s2, $0x5  }
.Ltmp11:
0x21b: {  	v3 =	vmul.f32 v3, v1;
	(pc) =	sbr.rel @p0 .LBB2_22-.Ltmp11, $3  }
0x21c: {  	_ = 	snop  }
0x21d: {  	v3 =	vadd.f32 v3, v2;
	_ =	sdelay $0x1  }
0x21e: {  	s3 =	sadd.s32 $0x800, s3;
	s4 =	sadd.s32 $0x800, s4;
	[tilespmem:s13+$0x165C0] =	vst v3  }
0x21f: {  	s2 =	simm.s32 $0x13F00  }
0x220: {  	[hbm4b:s8+s5] =	stream.linear.scatter [tilespmem:s2], [sflag:$0x4], $0x2710, $0x38;
	[tilespmem:$0x19100] =	vst v63  }
0x221: {  	s29 =	sadd.s32 $0x1, s29;
	_ =	swait.ge [sflag:s11], $0x2710  }
0x222: {  	p0 =	sne.s32 s29, s10;
	[sflag:s11] =	ssyncset.done $0x0  }
.Ltmp12:
0x223: {  	s31 =	simm.s32 $0x16680;
	[sflag:s11] =	ssyncadd.s32 $0xFFFFD8F0;
	(pc) =	sbr.rel @p0 .LBB2_1-.Ltmp12, $4  }
0x224: {  	[hbm4b:s9+s5] =	stream.linear.scatter [tilespmem:s31], [sflag:$0x4], $0x2710, $0x38;
	[tilespmem:$0x19100] =	vst v63  }
0x225: {  	_ =	swait.ge [sflag:s11], $0x2710  }
0x226: {  	[sflag:s11] =	ssyncset.done $0x0  }
0x227: {  	s4 =	simm.s32 $0x2780;
	[sflag:s11] =	ssyncadd.s32 $0xFFFFD8F0  }
0x228: {  	_ =	sfence.sel $0x180000  }
0x229: {  	[bflag:$0x0] =	sbarrier.arrive $0xFFFF  }
0x22a: {  	_ =	strace $0x90000047  }
0x22b: {  	s0 =	stileid.u32;
	[bflag:$0x2] =	sbarrier.arrive $0xFFFF  }
0x22c: {  	p0 =	sne.s32 s0, $0x0;
	s0 =	rddreg [dreg:$0x7]  }
0x22d: {  	s0 =	sadd.s32 @!p0 $0x100000, s0  }
0x22e: {  	[sflag:s0] =	ssyncadd.tile.s32 @!p0 $0x1;
	_ =	shalt  }
.Lfunc_end2:
_tile_overlayer_lowered:
.L_overlay_start_2:
0x22f: {  	(tag) =	ssettag $0x2  }
0x230: {  	s0 =	rddreg [dreg:$0x0];
	s2 =	stileid.u32  }
0x231: {  	s1 =	rddreg [dreg:$0x1];
	p0 =	sne.s32 s2, $0x0  }
0x232: {  	s3 =	rddreg [dreg:$0x2];
	[bflag:$0x3] =	sbarrier.arrive $0xFFFF;
	s2 =	simm.s32 @!p0 $0x1C04  }
0x233: {  	[timem:s3], [sflag:s2] =	dma.local @!p0 [hbm:s0], s1  }
0x234: {  	s0 =	simm.s32 @!p0 $0x4  }
0x235: {  	_ =	swait.ge @!p0 [sflag:s0], s1  }
0x236: {  	s1 =	ssub.s32 @!p0 $0x0, s1;
	[sflag:s0] =	ssyncset.done @!p0 $0x0  }
0x237: {  	[sflag:s0] =	ssyncadd.s32 @!p0 s1  }
0x238: {  	[bflag:$0x3] =	sbarrier.arrive $0xFFFF  }
0x239: {  	_ =	shalt  }

</sc_bundles>
